<compile_context>
chip_gen: v7x
topology: tpu7x:2x2x1
jax: 0.10.2.dev20260603
libtpu: 0.0.44.dev20260713+nightly
codegen_flags: <defaults>
</compile_context>

<pallas_src>
import functools

import jax
import jax.numpy as jnp
from jax import lax
from jax.experimental import pallas as pl
from jax.experimental.pallas import tpu as pltpu
from jax.experimental.pallas import tpu_sc as plsc

_THRESH = 0.7
_THRESH_BITS = 0x3F333333
_MIN_KEPT = 100000
_NW = 32
_NB = 4096



def _fused_body(pred_ref, tgt_ref, stats_ref, pbits_ref, *rest, emit_nll):
    nc = pred_ref.shape[1]
    t = tgt_ref[0]
    thr = jnp.float32(_THRESH)

    def mx(ci, m):
        return jnp.maximum(m, pred_ref[0, ci])

    m = lax.fori_loop(1, nc, mx, pred_ref[0, 0])

    def acc(ci, carry):
        s, tl = carry
        xc = pred_ref[0, ci]
        return s + jnp.exp(xc - m), tl + jnp.where(t == ci, xc, 0.0)

    zero = jnp.zeros_like(m)
    s, tl = lax.fori_loop(0, nc, acc, (zero, zero))
    p = jnp.exp(tl - m) / s
    nll = m + jnp.log(s) - tl
    lt = p < thr
    tot = jnp.sum(jnp.where(lt, nll, 0.0))
    c_lt = jnp.sum(lt.astype(jnp.float32))

    first = (pl.program_id(0) == 0) & (pl.program_id(1) == 0)

    @pl.when(first)
    def _():
        stats_ref[0, 0] = tot
        stats_ref[0, 1] = c_lt

    @pl.when(jnp.logical_not(first))
    def _():
        stats_ref[0, 0] += tot
        stats_ref[0, 1] += c_lt

    pbits_ref[0] = lax.bitcast_convert_type(p, jnp.int32)
    if emit_nll:
        rest[0][0] = nll


def _run_fused(predict, target, emit_nll, bh):
    n, c, h, w = predict.shape
    grid = (n, h // bh)
    in_specs = [
        pl.BlockSpec((1, c, bh, w), lambda i, j: (i, 0, j, 0)),
        pl.BlockSpec((1, bh, w), lambda i, j: (i, j, 0)),
    ]
    out_shapes = [
        jax.ShapeDtypeStruct((1, 2), jnp.float32),
        jax.ShapeDtypeStruct((n, h, w), jnp.int32),
    ]
    out_specs = [
        pl.BlockSpec((1, 2), lambda i, j: (0, 0), memory_space=pltpu.SMEM),
        pl.BlockSpec((1, bh, w), lambda i, j: (i, j, 0)),
    ]
    if emit_nll:
        out_shapes.append(jax.ShapeDtypeStruct((n, h, w), jnp.float32))
        out_specs.append(pl.BlockSpec((1, bh, w), lambda i, j: (i, j, 0)))
    return pl.pallas_call(
        functools.partial(_fused_body, emit_nll=emit_nll),
        grid=grid,
        in_specs=in_specs,
        out_specs=out_specs,
        out_shape=out_shapes,
    )(predict, target)



def _sc_hist(numel, key_shift, key_mask, sel_shift):
    per = numel // _NW
    ch = per // 16
    masked = sel_shift is not None
    scratch = [
        pltpu.VMEM((per,), jnp.int32),
        pltpu.VMEM((_NB,), jnp.int32),
        pltpu.VMEM((_NB,), jnp.int32),
    ]
    if masked:
        scratch.append(pltpu.VMEM((16,), jnp.int32))
    mesh = plsc.VectorSubcoreMesh(core_axis_name="c", subcore_axis_name="s")

    def body(bits_hbm, *rest):
        if masked:
            sel_hbm, out_hbm, data, hist, hist2, selv = rest
        else:
            out_hbm, data, hist, hist2 = rest
        wid = lax.axis_index("s") * 2 + lax.axis_index("c")
        pltpu.sync_copy(bits_hbm.at[pl.ds(wid * per, per)], data)
        if masked:
            pltpu.sync_copy(sel_hbm, selv)
            sel = selv[...]

        def zero(i, _):
            hist[pl.ds(i * 16, 16)] = jnp.zeros((16,), jnp.int32)
            hist2[pl.ds(i * 16, 16)] = jnp.zeros((16,), jnp.int32)
            return 0

        lax.fori_loop(0, _NB // 16, zero, 0)

        ones = jnp.ones((16,), jnp.int32)
        unroll = 8

        def sbody(i, _):
            base = i * (16 * unroll)
            for u in range(unroll):
                x = data[pl.ds(base + u * 16, 16)]
                key = lax.shift_right_logical(x, key_shift) if key_shift else x
                key = lax.bitwise_and(key, key_mask)
                dst = hist if u % 2 == 0 else hist2
                if masked:
                    msk = lax.shift_right_logical(x, sel_shift) == sel
                    plsc.addupdate_scatter(dst, [key], ones, mask=msk)
                else:
                    plsc.addupdate_scatter(dst, [key], ones)
            return 0

        lax.fori_loop(0, ch // unroll, sbody, 0)

        def merge(i, _):
            sl = pl.ds(i * 16, 16)
            hist[sl] += hist2[sl]
            return 0

        lax.fori_loop(0, _NB // 16, merge, 0)
        pltpu.sync_copy(hist, out_hbm.at[wid])

    return pl.kernel(
        body,
        out_type=jax.ShapeDtypeStruct((_NW, _NB), jnp.int32),
        mesh=mesh,
        scratch_types=scratch,
        compiler_params=pltpu.CompilerParams(needs_layout_passes=False),
    )



def _finder_body(k_ref, h_ref, out_ref):
    kf = k_ref[0, 0].astype(jnp.float32)
    h = h_ref[...].astype(jnp.float32)
    g2 = jnp.sum(h, axis=0)
    rowsum = jnp.sum(g2, axis=1, keepdims=True)
    ri = lax.broadcasted_iota(jnp.int32, (32, 32), 0)
    ci = lax.broadcasted_iota(jnp.int32, (32, 32), 1)
    mtri = (ci < ri).astype(jnp.float32)
    cer = jnp.dot(mtri, rowsum, preferred_element_type=jnp.float32,
                  precision=lax.Precision.HIGHEST)
    a = lax.broadcasted_iota(jnp.int32, (128, 128), 0)
    b = lax.broadcasted_iota(jnp.int32, (128, 128), 1)
    ntri = (a <= b).astype(jnp.float32)
    cir = jnp.dot(g2, ntri, preferred_element_type=jnp.float32,
                  precision=lax.Precision.HIGHEST)
    cum = cer + cir
    le = cum <= kf
    out_ref[0, 0] = jnp.sum(le.astype(jnp.int32))
    out_ref[0, 1] = jnp.max(jnp.where(le, cum, 0.0)).astype(jnp.int32)


def _finder(hist, k):
    return pl.pallas_call(
        _finder_body,
        in_specs=[
            pl.BlockSpec(memory_space=pltpu.SMEM),
            pl.BlockSpec(),
        ],
        out_specs=pl.BlockSpec(memory_space=pltpu.SMEM),
        out_shape=jax.ShapeDtypeStruct((1, 2), jnp.int32),
    )(k.reshape(1, 1), hist.reshape(_NW, 32, 128))


def _sc_select(bits_flat, kept_idx):
    numel = bits_flat.shape[0]
    k32 = jnp.int32(kept_idx)
    h1 = _sc_hist(numel, 18, _NB - 1, None)(bits_flat)
    f1 = _finder(h1, k32)
    b1, cb1 = f1[0, 0], f1[0, 1]

    def refine(_):
        h2 = _sc_hist(numel, 6, _NB - 1, 18)(
            bits_flat, jnp.full((16,), b1, jnp.int32))
        f2 = _finder(h2, k32 - cb1)
        b2, cb2 = f2[0, 0], f2[0, 1]
        b12 = b1 * _NB + b2
        h3 = _sc_hist(numel, 0, 63, 6)(
            bits_flat, jnp.full((16,), b12, jnp.int32))
        f3 = _finder(h3, k32 - cb1 - cb2)
        return b12 * 64 + f3[0, 0]

    return lax.cond(b1 >= (_THRESH_BITS >> 18), refine,
                    lambda _: jnp.int32(0), None)



def _reduce_body(thr_ref, pbits_ref, nll_ref, out_ref):
    thr = thr_ref[0, 0]
    lt = pbits_ref[0] < thr
    tot = jnp.sum(jnp.where(lt, nll_ref[0], 0.0))
    cnt = jnp.sum(lt.astype(jnp.float32))
    first = (pl.program_id(0) == 0) & (pl.program_id(1) == 0)

    @pl.when(first)
    def _():
        out_ref[0, 0] = tot
        out_ref[0, 1] = cnt

    @pl.when(jnp.logical_not(first))
    def _():
        out_ref[0, 0] += tot
        out_ref[0, 1] += cnt


def _masked_reduce(pbits, nll, thr_bits, bh):
    n, h, w = pbits.shape
    grid = (n, h // bh)
    out = pl.pallas_call(
        _reduce_body,
        grid=grid,
        in_specs=[
            pl.BlockSpec(memory_space=pltpu.SMEM),
            pl.BlockSpec((1, bh, w), lambda i, j: (i, j, 0)),
            pl.BlockSpec((1, bh, w), lambda i, j: (i, j, 0)),
        ],
        out_specs=pl.BlockSpec((1, 2), lambda i, j: (0, 0), memory_space=pltpu.SMEM),
        out_shape=jax.ShapeDtypeStruct((1, 2), jnp.float32),
    )(thr_bits.reshape(1, 1), pbits, nll)
    return out[0, 0], out[0, 1]


def _final(total, count):
    return jnp.where(count > 0, total / jnp.maximum(count, 1.0), total)


def kernel(predict, target):
    n, c, h, w = predict.shape
    numel = n * h * w
    kept_idx = max(min(_MIN_KEPT * n, numel - 1), 0)
    bh = 64 if h % 64 == 0 else 16

    stats, pbits = _run_fused(predict, target, emit_nll=False, bh=bh)
    v_bits = _sc_select(pbits.reshape(-1), kept_idx)

    def common(_):
        return _final(stats[0, 0], stats[0, 1])

    def rare(_):
        _, pbits2, nll = _run_fused(predict, target, emit_nll=True, bh=bh)
        total, count = _masked_reduce(pbits2, nll, v_bits, bh)
        return _final(total, count)

    return lax.cond(v_bits <= jnp.int32(_THRESH_BITS), common, rare,
                    operand=None)

# --- scband reference (transcript-rebuilt; emitter-appended) ---
"""Pipeline reference for scband-ohem-celoss-48232482734295 (READ-ONLY COPY).

The authoritative reference and input builder live on the scoring server;
editing this copy changes nothing except your own understanding.
"""

import jax, jax.numpy as jnp
import numpy as np

THRESH = 0.7
MIN_KEPT = 100000
IGNORE_INDEX = -100
REDUCTION = 'mean'


def setup_inputs(seed: int = 0) -> dict:
    key = jax.random.key(seed)
    k1, k2 = jax.random.split(key)
    predict = jax.random.normal(k1, (8, 19, 512, 512), dtype=jnp.float32)
    target = jax.random.randint(k2, (8, 512, 512), 0, 19)
    return {"predict": predict, "target": target}


def _scale_target(targets, scaled_size):
    t = targets[:, None, :, :].astype(jnp.float32)
    t = jax.image.resize(t, (t.shape[0], 1, scaled_size[0], scaled_size[1]), method='nearest')
    return t[:, 0, :, :].astype(targets.dtype)


def reference(predict, target):
    n, c, h, w = predict.shape
    batch_kept = MIN_KEPT * target.shape[0]
    target = _scale_target(target, (h, w))
    prob_out = jax.nn.softmax(predict, axis=1)
    tmp_target = jnp.where(target == IGNORE_INDEX, 0, target)
    prob = jnp.take_along_axis(prob_out, tmp_target[:, None, :, :], axis=1)  # (n,1,h,w)
    mask = (target.reshape(-1) != IGNORE_INDEX)
    prob_flat = prob.reshape(-1)
    prob_masked = jnp.where(mask, prob_flat, jnp.inf)
    sort_indices = jnp.argsort(prob_masked)
    sort_prob = prob_masked[sort_indices]
    numel = jnp.sum(mask)
    idx = jnp.maximum(jnp.minimum(batch_kept, numel - 1), 0)
    min_threshold = jnp.where(numel > 0, sort_prob[idx], jnp.float32(0.0))
    threshold = jnp.maximum(min_threshold, jnp.float32(THRESH))
    logp = jax.nn.log_softmax(predict, axis=1)
    nll = -jnp.take_along_axis(logp, tmp_target[:, None, :, :], axis=1)[:, 0, :, :]
    loss_matrix = jnp.where(target == IGNORE_INDEX, 0.0, nll)  # (n,h,w)
    sort_loss = loss_matrix.reshape(-1)[sort_indices]
    keep = (sort_prob < threshold).astype(jnp.float32)
    total = jnp.sum(sort_loss * keep)
    count = jnp.sum(keep)
    if REDUCTION == 'sum':
        return total
    # mean reduction; if nothing selected torch returns sum of empty (=0)
    return jnp.where(count > 0, total / jnp.maximum(count, 1.0), total)

if __name__ == "__main__":
    import jax
    _d = setup_inputs()
    print(jax.jit(kernel)(*tuple(_d.values())))

</pallas_src>

<mosaic_0001>
#map = affine_map<(d0, d1) -> (0)>
#map1 = affine_map<(d0, d1) -> (0, 0)>
module attributes {stable_mosaic.version = 14 : i64} {
  func.func @body(%arg0: i32, %arg1: i32, %arg2: memref<2097152xi32, #tpu.memory_space<hbm>>, %arg3: memref<16xi32, #tpu.memory_space<hbm>>, %arg4: memref<32x4096xi32, #tpu.memory_space<hbm>>, %arg5: memref<65536xi32, #tpu.memory_space<vmem>>, %arg6: memref<4096xi32, #tpu.memory_space<vmem>>, %arg7: memref<4096xi32, #tpu.memory_space<vmem>>, %arg8: memref<16xi32, #tpu.memory_space<vmem>>) attributes {dimension_semantics = [#tpu.dimension_semantics<core_parallel>, #tpu.dimension_semantics<subcore_parallel>], iteration_bounds = array<i64: 2, 16>, scalar_prefetch = 0 : i64, scratch_operands = 4 : i64, tpu.core_type = #tpu.core_type<sc_vector_subcore>, window_params = [{transform_indices = #map}, {transform_indices = #map}, {transform_indices = #map1}]} {
    %mul3A = arith.constant 2 : i32
    %mul3A_0 = arith.muli %arg1, %mul3A : i32
    %add3A = arith.addi %mul3A_0, %arg0 : i32
    %mul3A_1 = arith.constant 65536 : i32
    %mul3A_2 = arith.muli %add3A, %mul3A_1 : i32
    "tpu.region"() ({
      %run_scoped3A = tpu.sem_alloc : memref<!tpu.dma_semaphore, #tpu.memory_space<semaphore_mem>>
      %dma_start3A = tpu.memref_slice %arg2[%mul3A_2] : memref<2097152xi32, #tpu.memory_space<hbm>> -> memref<65536xi32, #tpu.memory_space<hbm>>
      %dma_start3A_25 = tpu.memref_slice %arg2[%mul3A_2] : memref<2097152xi32, #tpu.memory_space<hbm>> -> memref<65536xi32, #tpu.memory_space<hbm>>
      tpu.enqueue_dma source(%dma_start3A_25 : memref<65536xi32, #tpu.memory_space<hbm>>) target(%arg5 : memref<65536xi32, #tpu.memory_space<vmem>>) target_semaphore(%run_scoped3A : memref<!tpu.dma_semaphore, #tpu.memory_space<semaphore_mem>>)
      %dma_wait3A = tpu.memref_slice %arg2[%mul3A_2] : memref<2097152xi32, #tpu.memory_space<hbm>> -> memref<65536xi32, #tpu.memory_space<hbm>>
      %dma_wait3A_26 = tpu.memref_slice %arg2[%mul3A_2] : memref<2097152xi32, #tpu.memory_space<hbm>> -> memref<65536xi32, #tpu.memory_space<hbm>>
      tpu.wait_dma2 semaphore(%run_scoped3A : memref<!tpu.dma_semaphore, #tpu.memory_space<semaphore_mem>>) src(%dma_wait3A_26 : memref<65536xi32, #tpu.memory_space<hbm>>) dst(%arg5 : memref<65536xi32, #tpu.memory_space<vmem>>)
      tpu.yield
    }) : () -> ()
    "tpu.region"() ({
      %run_scoped3A = tpu.sem_alloc : memref<!tpu.dma_semaphore, #tpu.memory_space<semaphore_mem>>
      tpu.enqueue_dma source(%arg3 : memref<16xi32, #tpu.memory_space<hbm>>) target(%arg8 : memref<16xi32, #tpu.memory_space<vmem>>) target_semaphore(%run_scoped3A : memref<!tpu.dma_semaphore, #tpu.memory_space<semaphore_mem>>)
      tpu.wait_dma2 semaphore(%run_scoped3A : memref<!tpu.dma_semaphore, #tpu.memory_space<semaphore_mem>>) src(%arg3 : memref<16xi32, #tpu.memory_space<hbm>>) dst(%arg8 : memref<16xi32, #tpu.memory_space<vmem>>)
      tpu.yield
    }) : () -> ()
    %get3A = arith.constant 0 : index
    %get3A_3 = tpu.vector_load %arg8[%get3A] {strides = array<i32>} : memref<16xi32, #tpu.memory_space<vmem>>, vector<16xi32>,
    %scan3A = arith.constant 0 : i32
    %scan3A_4 = arith.constant 0 : i32
    %scan3A_5 = arith.constant 256 : i32
    %scan3A_6 = arith.addi %scan3A_4, %scan3A_5 : i32
    %scan3A_7 = arith.constant 1 : i32
    %scan3A_8 = scf.for %scan3A_25 = %scan3A_4 to %scan3A_6 step %scan3A_7 iter_args(%scan3A_26 = %scan3A) -> (i32)  : i32 {
      %broadcast_in_dim3A_27 = arith.constant 0 : i32
      %broadcast_in_dim3A_28 = vector.broadcast %broadcast_in_dim3A_27 : i32 to vector<16xi32>
      %mul3A_29 = arith.constant 16 : i32
      %mul3A_30 = arith.muli %scan3A_25, %mul3A_29 : i32
      %swap3A = arith.index_cast %mul3A_30 : i32 to index
      %swap3A_31 = tpu.vector_load %arg6[%swap3A] {strides = array<i32>} : memref<4096xi32, #tpu.memory_space<vmem>>, vector<16xi32>,
      tpu.vector_store %arg6[%swap3A], %broadcast_in_dim3A_28 {strides = array<i32>} : memref<4096xi32, #tpu.memory_space<vmem>>, vector<16xi32>,
      %broadcast_in_dim3A_32 = arith.constant 0 : i32
      %broadcast_in_dim3A_33 = vector.broadcast %broadcast_in_dim3A_32 : i32 to vector<16xi32>
      %mul3A_34 = arith.constant 16 : i32
      %mul3A_35 = arith.muli %scan3A_25, %mul3A_34 : i32
      %swap3A_36 = arith.index_cast %mul3A_35 : i32 to index
      %swap3A_37 = tpu.vector_load %arg7[%swap3A_36] {strides = array<i32>} : memref<4096xi32, #tpu.memory_space<vmem>>, vector<16xi32>,
      tpu.vector_store %arg7[%swap3A_36], %broadcast_in_dim3A_33 {strides = array<i32>} : memref<4096xi32, #tpu.memory_space<vmem>>, vector<16xi32>,
      %scan3A_38 = arith.constant 0 : i32
      scf.yield %scan3A_38 : i32
    }
    %scan3A_9 = arith.constant 256 : i32
    %broadcast_in_dim3A = arith.constant 1 : i32
    %broadcast_in_dim3A_10 = vector.broadcast %broadcast_in_dim3A : i32 to vector<16xi32>
    %scan3A_11 = arith.constant 0 : i32
    %scan3A_12 = arith.constant 0 : i32
    %scan3A_13 = arith.constant 512 : i32
    %scan3A_14 = arith.addi %scan3A_12, %scan3A_13 : i32
    %scan3A_15 = arith.constant 1 : i32
    %scan3A_16 = scf.for %scan3A_25 = %scan3A_12 to %scan3A_14 step %scan3A_15 iter_args(%scan3A_26 = %scan3A_11) -> (i32)  : i32 {
      %mul3A_27 = arith.constant 128 : i32
      %mul3A_28 = arith.muli %scan3A_25, %mul3A_27 : i32
      %add3A_29 = arith.constant 0 : i32
      %add3A_30 = arith.addi %mul3A_28, %add3A_29 : i32
      %get3A_31 = arith.index_cast %add3A_30 : i32 to index
      %get3A_32 = tpu.vector_load %arg5[%get3A_31] {strides = array<i32>} : memref<65536xi32, #tpu.memory_space<vmem>>, vector<16xi32>,
      %and3A = arith.constant 63 : i32
      %and3A_33 = vector.broadcast %and3A : i32 to vector<16xi32>
      %and3A_34 = arith.andi %get3A_32, %and3A_33 : vector<16xi32>
      %shift_right_logical3A = arith.constant 6 : i32
      %shift_right_logical3A_35 = vector.broadcast %shift_right_logical3A : i32 to vector<16xi32>
      %shift_right_logical3A_36 = arith.shrui %get3A_32, %shift_right_logical3A_35 : vector<16xi32>
      %eq3A = arith.cmpi eq, %shift_right_logical3A_36, %get3A_3 : vector<16xi32>
      tpu.vector_store_idx %arg6[%and3A_34], %broadcast_in_dim3A_10 masked %eq3A {add = true} : memref<4096xi32, #tpu.memory_space<vmem>>[vector<16xi32>], vector<16xi32>, vector<16xi1>
      %add3A_37 = arith.constant 16 : i32
      %add3A_38 = arith.addi %mul3A_28, %add3A_37 : i32
      %get3A_39 = arith.index_cast %add3A_38 : i32 to index
      %get3A_40 = tpu.vector_load %arg5[%get3A_39] {strides = array<i32>} : memref<65536xi32, #tpu.memory_space<vmem>>, vector<16xi32>,
      %and3A_41 = arith.constant 63 : i32
      %and3A_42 = vector.broadcast %and3A_41 : i32 to vector<16xi32>
      %and3A_43 = arith.andi %get3A_40, %and3A_42 : vector<16xi32>
      %shift_right_logical3A_44 = arith.constant 6 : i32
      %shift_right_logical3A_45 = vector.broadcast %shift_right_logical3A_44 : i32 to vector<16xi32>
      %shift_right_logical3A_46 = arith.shrui %get3A_40, %shift_right_logical3A_45 : vector<16xi32>
      %eq3A_47 = arith.cmpi eq, %shift_right_logical3A_46, %get3A_3 : vector<16xi32>
      tpu.vector_store_idx %arg7[%and3A_43], %broadcast_in_dim3A_10 masked %eq3A_47 {add = true} : memref<4096xi32, #tpu.memory_space<vmem>>[vector<16xi32>], vector<16xi32>, vector<16xi1>
      %add3A_48 = arith.constant 32 : i32
      %add3A_49 = arith.addi %mul3A_28, %add3A_48 : i32
      %get3A_50 = arith.index_cast %add3A_49 : i32 to index
      %get3A_51 = tpu.vector_load %arg5[%get3A_50] {strides = array<i32>} : memref<65536xi32, #tpu.memory_space<vmem>>, vector<16xi32>,
      %and3A_52 = arith.constant 63 : i32
      %and3A_53 = vector.broadcast %and3A_52 : i32 to vector<16xi32>
      %and3A_54 = arith.andi %get3A_51, %and3A_53 : vector<16xi32>
      %shift_right_logical3A_55 = arith.constant 6 : i32
      %shift_right_logical3A_56 = vector.broadcast %shift_right_logical3A_55 : i32 to vector<16xi32>
      %shift_right_logical3A_57 = arith.shrui %get3A_51, %shift_right_logical3A_56 : vector<16xi32>
      %eq3A_58 = arith.cmpi eq, %shift_right_logical3A_57, %get3A_3 : vector<16xi32>
      tpu.vector_store_idx %arg6[%and3A_54], %broadcast_in_dim3A_10 masked %eq3A_58 {add = true} : memref<4096xi32, #tpu.memory_space<vmem>>[vector<16xi32>], vector<16xi32>, vector<16xi1>
      %add3A_59 = arith.constant 48 : i32
      %add3A_60 = arith.addi %mul3A_28, %add3A_59 : i32
      %get3A_61 = arith.index_cast %add3A_60 : i32 to index
      %get3A_62 = tpu.vector_load %arg5[%get3A_61] {strides = array<i32>} : memref<65536xi32, #tpu.memory_space<vmem>>, vector<16xi32>,
      %and3A_63 = arith.constant 63 : i32
      %and3A_64 = vector.broadcast %and3A_63 : i32 to vector<16xi32>
      %and3A_65 = arith.andi %get3A_62, %and3A_64 : vector<16xi32>
      %shift_right_logical3A_66 = arith.constant 6 : i32
      %shift_right_logical3A_67 = vector.broadcast %shift_right_logical3A_66 : i32 to vector<16xi32>
      %shift_right_logical3A_68 = arith.shrui %get3A_62, %shift_right_logical3A_67 : vector<16xi32>
      %eq3A_69 = arith.cmpi eq, %shift_right_logical3A_68, %get3A_3 : vector<16xi32>
      tpu.vector_store_idx %arg7[%and3A_65], %broadcast_in_dim3A_10 masked %eq3A_69 {add = true} : memref<4096xi32, #tpu.memory_space<vmem>>[vector<16xi32>], vector<16xi32>, vector<16xi1>
      %add3A_70 = arith.constant 64 : i32
      %add3A_71 = arith.addi %mul3A_28, %add3A_70 : i32
      %get3A_72 = arith.index_cast %add3A_71 : i32 to index
      %get3A_73 = tpu.vector_load %arg5[%get3A_72] {strides = array<i32>} : memref<65536xi32, #tpu.memory_space<vmem>>, vector<16xi32>,
      %and3A_74 = arith.constant 63 : i32
      %and3A_75 = vector.broadcast %and3A_74 : i32 to vector<16xi32>
      %and3A_76 = arith.andi %get3A_73, %and3A_75 : vector<16xi32>
      %shift_right_logical3A_77 = arith.constant 6 : i32
      %shift_right_logical3A_78 = vector.broadcast %shift_right_logical3A_77 : i32 to vector<16xi32>
      %shift_right_logical3A_79 = arith.shrui %get3A_73, %shift_right_logical3A_78 : vector<16xi32>
      %eq3A_80 = arith.cmpi eq, %shift_right_logical3A_79, %get3A_3 : vector<16xi32>
      tpu.vector_store_idx %arg6[%and3A_76], %broadcast_in_dim3A_10 masked %eq3A_80 {add = true} : memref<4096xi32, #tpu.memory_space<vmem>>[vector<16xi32>], vector<16xi32>, vector<16xi1>
      %add3A_81 = arith.constant 80 : i32
      %add3A_82 = arith.addi %mul3A_28, %add3A_81 : i32
      %get3A_83 = arith.index_cast %add3A_82 : i32 to index
      %get3A_84 = tpu.vector_load %arg5[%get3A_83] {strides = array<i32>} : memref<65536xi32, #tpu.memory_space<vmem>>, vector<16xi32>,
      %and3A_85 = arith.constant 63 : i32
      %and3A_86 = vector.broadcast %and3A_85 : i32 to vector<16xi32>
      %and3A_87 = arith.andi %get3A_84, %and3A_86 : vector<16xi32>
      %shift_right_logical3A_88 = arith.constant 6 : i32
      %shift_right_logical3A_89 = vector.broadcast %shift_right_logical3A_88 : i32 to vector<16xi32>
      %shift_right_logical3A_90 = arith.shrui %get3A_84, %shift_right_logical3A_89 : vector<16xi32>
      %eq3A_91 = arith.cmpi eq, %shift_right_logical3A_90, %get3A_3 : vector<16xi32>
      tpu.vector_store_idx %arg7[%and3A_87], %broadcast_in_dim3A_10 masked %eq3A_91 {add = true} : memref<4096xi32, #tpu.memory_space<vmem>>[vector<16xi32>], vector<16xi32>, vector<16xi1>
      %add3A_92 = arith.constant 96 : i32
      %add3A_93 = arith.addi %mul3A_28, %add3A_92 : i32
      %get3A_94 = arith.index_cast %add3A_93 : i32 to index
      %get3A_95 = tpu.vector_load %arg5[%get3A_94] {strides = array<i32>} : memref<65536xi32, #tpu.memory_space<vmem>>, vector<16xi32>,
      %and3A_96 = arith.constant 63 : i32
      %and3A_97 = vector.broadcast %and3A_96 : i32 to vector<16xi32>
      %and3A_98 = arith.andi %get3A_95, %and3A_97 : vector<16xi32>
      %shift_right_logical3A_99 = arith.constant 6 : i32
      %shift_right_logical3A_100 = vector.broadcast %shift_right_logical3A_99 : i32 to vector<16xi32>
      %shift_right_logical3A_101 = arith.shrui %get3A_95, %shift_right_logical3A_100 : vector<16xi32>
      %eq3A_102 = arith.cmpi eq, %shift_right_logical3A_101, %get3A_3 : vector<16xi32>
      tpu.vector_store_idx %arg6[%and3A_98], %broadcast_in_dim3A_10 masked %eq3A_102 {add = true} : memref<4096xi32, #tpu.memory_space<vmem>>[vector<16xi32>], vector<16xi32>, vector<16xi1>
      %add3A_103 = arith.constant 112 : i32
      %add3A_104 = arith.addi %mul3A_28, %add3A_103 : i32
      %get3A_105 = arith.index_cast %add3A_104 : i32 to index
      %get3A_106 = tpu.vector_load %arg5[%get3A_105] {strides = array<i32>} : memref<65536xi32, #tpu.memory_space<vmem>>, vector<16xi32>,
      %and3A_107 = arith.constant 63 : i32
      %and3A_108 = vector.broadcast %and3A_107 : i32 to vector<16xi32>
      %and3A_109 = arith.andi %get3A_106, %and3A_108 : vector<16xi32>
      %shift_right_logical3A_110 = arith.constant 6 : i32
      %shift_right_logical3A_111 = vector.broadcast %shift_right_logical3A_110 : i32 to vector<16xi32>
      %shift_right_logical3A_112 = arith.shrui %get3A_106, %shift_right_logical3A_111 : vector<16xi32>
      %eq3A_113 = arith.cmpi eq, %shift_right_logical3A_112, %get3A_3 : vector<16xi32>
      tpu.vector_store_idx %arg7[%and3A_109], %broadcast_in_dim3A_10 masked %eq3A_113 {add = true} : memref<4096xi32, #tpu.memory_space<vmem>>[vector<16xi32>], vector<16xi32>, vector<16xi1>
      %scan3A_114 = arith.constant 0 : i32
      scf.yield %scan3A_114 : i32
    }
    %scan3A_17 = arith.constant 512 : i32
    %scan3A_18 = arith.constant 0 : i32
    %scan3A_19 = arith.constant 0 : i32
    %scan3A_20 = arith.constant 256 : i32
    %scan3A_21 = arith.addi %scan3A_19, %scan3A_20 : i32
    %scan3A_22 = arith.constant 1 : i32
    %scan3A_23 = scf.for %scan3A_25 = %scan3A_19 to %scan3A_21 step %scan3A_22 iter_args(%scan3A_26 = %scan3A_18) -> (i32)  : i32 {
      %mul3A_27 = arith.constant 16 : i32
      %mul3A_28 = arith.muli %scan3A_25, %mul3A_27 : i32
      %get3A_29 = arith.index_cast %mul3A_28 : i32 to index
      %get3A_30 = tpu.vector_load %arg6[%get3A_29] {strides = array<i32>} : memref<4096xi32, #tpu.memory_space<vmem>>, vector<16xi32>,
      %get3A_31 = arith.index_cast %mul3A_28 : i32 to index
      %get3A_32 = tpu.vector_load %arg7[%get3A_31] {strides = array<i32>} : memref<4096xi32, #tpu.memory_space<vmem>>, vector<16xi32>,
      %add3A_33 = arith.addi %get3A_30, %get3A_32 : vector<16xi32>
      %swap3A = arith.index_cast %mul3A_28 : i32 to index
      %swap3A_34 = tpu.vector_load %arg6[%swap3A] {strides = array<i32>} : memref<4096xi32, #tpu.memory_space<vmem>>, vector<16xi32>,
      tpu.vector_store %arg6[%swap3A], %add3A_33 {strides = array<i32>} : memref<4096xi32, #tpu.memory_space<vmem>>, vector<16xi32>,
      %scan3A_35 = arith.constant 0 : i32
      scf.yield %scan3A_35 : i32
    }
    %scan3A_24 = arith.constant 256 : i32
    "tpu.region"() ({
      %run_scoped3A = tpu.sem_alloc : memref<!tpu.dma_semaphore, #tpu.memory_space<semaphore_mem>>
      %dma_start3A = arith.constant 0 : i32
      %dma_start3A_25 = tpu.memref_slice %arg4[%add3A, %dma_start3A] : memref<32x4096xi32, #tpu.memory_space<hbm>> -> memref<1x4096xi32, #tpu.memory_space<hbm>>
      %dma_start3A_26 = tpu.memref_squeeze %dma_start3A_25 : memref<1x4096xi32, #tpu.memory_space<hbm>> -> memref<4096xi32, #tpu.memory_space<hbm>>
      %dma_start3A_27 = arith.constant 0 : i32
      %dma_start3A_28 = tpu.memref_slice %arg4[%add3A, %dma_start3A_27] : memref<32x4096xi32, #tpu.memory_space<hbm>> -> memref<1x4096xi32, #tpu.memory_space<hbm>>
      %dma_start3A_29 = tpu.memref_squeeze %dma_start3A_28 : memref<1x4096xi32, #tpu.memory_space<hbm>> -> memref<4096xi32, #tpu.memory_space<hbm>>
      tpu.enqueue_dma source(%arg6 : memref<4096xi32, #tpu.memory_space<vmem>>) target(%dma_start3A_29 : memref<4096xi32, #tpu.memory_space<hbm>>) target_semaphore(%run_scoped3A : memref<!tpu.dma_semaphore, #tpu.memory_space<semaphore_mem>>)
      %dma_wait3A = arith.constant 0 : i32
      %dma_wait3A_30 = tpu.memref_slice %arg4[%add3A, %dma_wait3A] : memref<32x4096xi32, #tpu.memory_space<hbm>> -> memref<1x4096xi32, #tpu.memory_space<hbm>>
      %dma_wait3A_31 = tpu.memref_squeeze %dma_wait3A_30 : memref<1x4096xi32, #tpu.memory_space<hbm>> -> memref<4096xi32, #tpu.memory_space<hbm>>
      %dma_wait3A_32 = arith.constant 0 : i32
      %dma_wait3A_33 = tpu.memref_slice %arg4[%add3A, %dma_wait3A_32] : memref<32x4096xi32, #tpu.memory_space<hbm>> -> memref<1x4096xi32, #tpu.memory_space<hbm>>
      %dma_wait3A_34 = tpu.memref_squeeze %dma_wait3A_33 : memref<1x4096xi32, #tpu.memory_space<hbm>> -> memref<4096xi32, #tpu.memory_space<hbm>>
      tpu.wait_dma2 semaphore(%run_scoped3A : memref<!tpu.dma_semaphore, #tpu.memory_space<semaphore_mem>>) src(%arg6 : memref<4096xi32, #tpu.memory_space<vmem>>) dst(%dma_wait3A_34 : memref<4096xi32, #tpu.memory_space<hbm>>)
      tpu.yield
    }) : () -> ()
    return
  }
}

#map = affine_map<(d0, d1) -> (0)>
#map1 = affine_map<(d0, d1) -> (0, 0)>
module attributes {stable_mosaic.version = 14 : i64} {
  func.func @body(%arg0: i32, %arg1: i32, %arg2: memref<2097152xi32, #tpu.memory_space<hbm>>, %arg3: memref<32x4096xi32, #tpu.memory_space<hbm>>, %arg4: memref<65536xi32, #tpu.memory_space<vmem>>, %arg5: memref<4096xi32, #tpu.memory_space<vmem>>, %arg6: memref<4096xi32, #tpu.memory_space<vmem>>) attributes {dimension_semantics = [#tpu.dimension_semantics<core_parallel>, #tpu.dimension_semantics<subcore_parallel>], iteration_bounds = array<i64: 2, 16>, scalar_prefetch = 0 : i64, scratch_operands = 3 : i64, tpu.core_type = #tpu.core_type<sc_vector_subcore>, window_params = [{transform_indices = #map}, {transform_indices = #map1}]} {
    %mul3A = arith.constant 2 : i32
    %mul3A_0 = arith.muli %arg1, %mul3A : i32
    %add3A = arith.addi %mul3A_0, %arg0 : i32
    %mul3A_1 = arith.constant 65536 : i32
    %mul3A_2 = arith.muli %add3A, %mul3A_1 : i32
    "tpu.region"() ({
      %run_scoped3A = tpu.sem_alloc : memref<!tpu.dma_semaphore, #tpu.memory_space<semaphore_mem>>
      %dma_start3A = tpu.memref_slice %arg2[%mul3A_2] : memref<2097152xi32, #tpu.memory_space<hbm>> -> memref<65536xi32, #tpu.memory_space<hbm>>
      %dma_start3A_24 = tpu.memref_slice %arg2[%mul3A_2] : memref<2097152xi32, #tpu.memory_space<hbm>> -> memref<65536xi32, #tpu.memory_space<hbm>>
      tpu.enqueue_dma source(%dma_start3A_24 : memref<65536xi32, #tpu.memory_space<hbm>>) target(%arg4 : memref<65536xi32, #tpu.memory_space<vmem>>) target_semaphore(%run_scoped3A : memref<!tpu.dma_semaphore, #tpu.memory_space<semaphore_mem>>)
      %dma_wait3A = tpu.memref_slice %arg2[%mul3A_2] : memref<2097152xi32, #tpu.memory_space<hbm>> -> memref<65536xi32, #tpu.memory_space<hbm>>
      %dma_wait3A_25 = tpu.memref_slice %arg2[%mul3A_2] : memref<2097152xi32, #tpu.memory_space<hbm>> -> memref<65536xi32, #tpu.memory_space<hbm>>
      tpu.wait_dma2 semaphore(%run_scoped3A : memref<!tpu.dma_semaphore, #tpu.memory_space<semaphore_mem>>) src(%dma_wait3A_25 : memref<65536xi32, #tpu.memory_space<hbm>>) dst(%arg4 : memref<65536xi32, #tpu.memory_space<vmem>>)
      tpu.yield
    }) : () -> ()
    %scan3A = arith.constant 0 : i32
    %scan3A_3 = arith.constant 0 : i32
    %scan3A_4 = arith.constant 256 : i32
    %scan3A_5 = arith.addi %scan3A_3, %scan3A_4 : i32
    %scan3A_6 = arith.constant 1 : i32
    %scan3A_7 = scf.for %scan3A_24 = %scan3A_3 to %scan3A_5 step %scan3A_6 iter_args(%scan3A_25 = %scan3A) -> (i32)  : i32 {
      %broadcast_in_dim3A_26 = arith.constant 0 : i32
      %broadcast_in_dim3A_27 = vector.broadcast %broadcast_in_dim3A_26 : i32 to vector<16xi32>
      %mul3A_28 = arith.constant 16 : i32
      %mul3A_29 = arith.muli %scan3A_24, %mul3A_28 : i32
      %swap3A = arith.index_cast %mul3A_29 : i32 to index
      %swap3A_30 = tpu.vector_load %arg5[%swap3A] {strides = array<i32>} : memref<4096xi32, #tpu.memory_space<vmem>>, vector<16xi32>,
      tpu.vector_store %arg5[%swap3A], %broadcast_in_dim3A_27 {strides = array<i32>} : memref<4096xi32, #tpu.memory_space<vmem>>, vector<16xi32>,
      %broadcast_in_dim3A_31 = arith.constant 0 : i32
      %broadcast_in_dim3A_32 = vector.broadcast %broadcast_in_dim3A_31 : i32 to vector<16xi32>
      %mul3A_33 = arith.constant 16 : i32
      %mul3A_34 = arith.muli %scan3A_24, %mul3A_33 : i32
      %swap3A_35 = arith.index_cast %mul3A_34 : i32 to index
      %swap3A_36 = tpu.vector_load %arg6[%swap3A_35] {strides = array<i32>} : memref<4096xi32, #tpu.memory_space<vmem>>, vector<16xi32>,
      tpu.vector_store %arg6[%swap3A_35], %broadcast_in_dim3A_32 {strides = array<i32>} : memref<4096xi32, #tpu.memory_space<vmem>>, vector<16xi32>,
      %scan3A_37 = arith.constant 0 : i32
      scf.yield %scan3A_37 : i32
    }
    %scan3A_8 = arith.constant 256 : i32
    %broadcast_in_dim3A = arith.constant 1 : i32
    %broadcast_in_dim3A_9 = vector.broadcast %broadcast_in_dim3A : i32 to vector<16xi32>
    %scan3A_10 = arith.constant 0 : i32
    %scan3A_11 = arith.constant 0 : i32
    %scan3A_12 = arith.constant 512 : i32
    %scan3A_13 = arith.addi %scan3A_11, %scan3A_12 : i32
    %scan3A_14 = arith.constant 1 : i32
    %scan3A_15 = scf.for %scan3A_24 = %scan3A_11 to %scan3A_13 step %scan3A_14 iter_args(%scan3A_25 = %scan3A_10) -> (i32)  : i32 {
      %mul3A_26 = arith.constant 128 : i32
      %mul3A_27 = arith.muli %scan3A_24, %mul3A_26 : i32
      %add3A_28 = arith.constant 0 : i32
      %add3A_29 = arith.addi %mul3A_27, %add3A_28 : i32
      %get3A = arith.index_cast %add3A_29 : i32 to index
      %get3A_30 = tpu.vector_load %arg4[%get3A] {strides = array<i32>} : memref<65536xi32, #tpu.memory_space<vmem>>, vector<16xi32>,
      %shift_right_logical3A = arith.constant 18 : i32
      %shift_right_logical3A_31 = vector.broadcast %shift_right_logical3A : i32 to vector<16xi32>
      %shift_right_logical3A_32 = arith.shrui %get3A_30, %shift_right_logical3A_31 : vector<16xi32>
      %and3A = arith.constant 4095 : i32
      %and3A_33 = vector.broadcast %and3A : i32 to vector<16xi32>
      %and3A_34 = arith.andi %shift_right_logical3A_32, %and3A_33 : vector<16xi32>
      tpu.vector_store_idx %arg5[%and3A_34], %broadcast_in_dim3A_9 {add = true} : memref<4096xi32, #tpu.memory_space<vmem>>[vector<16xi32>], vector<16xi32>,
      %add3A_35 = arith.constant 16 : i32
      %add3A_36 = arith.addi %mul3A_27, %add3A_35 : i32
      %get3A_37 = arith.index_cast %add3A_36 : i32 to index
      %get3A_38 = tpu.vector_load %arg4[%get3A_37] {strides = array<i32>} : memref<65536xi32, #tpu.memory_space<vmem>>, vector<16xi32>,
      %shift_right_logical3A_39 = arith.constant 18 : i32
      %shift_right_logical3A_40 = vector.broadcast %shift_right_logical3A_39 : i32 to vector<16xi32>
      %shift_right_logical3A_41 = arith.shrui %get3A_38, %shift_right_logical3A_40 : vector<16xi32>
      %and3A_42 = arith.constant 4095 : i32
      %and3A_43 = vector.broadcast %and3A_42 : i32 to vector<16xi32>
      %and3A_44 = arith.andi %shift_right_logical3A_41, %and3A_43 : vector<16xi32>
      tpu.vector_store_idx %arg6[%and3A_44], %broadcast_in_dim3A_9 {add = true} : memref<4096xi32, #tpu.memory_space<vmem>>[vector<16xi32>], vector<16xi32>,
      %add3A_45 = arith.constant 32 : i32
      %add3A_46 = arith.addi %mul3A_27, %add3A_45 : i32
      %get3A_47 = arith.index_cast %add3A_46 : i32 to index
      %get3A_48 = tpu.vector_load %arg4[%get3A_47] {strides = array<i32>} : memref<65536xi32, #tpu.memory_space<vmem>>, vector<16xi32>,
      %shift_right_logical3A_49 = arith.constant 18 : i32
      %shift_right_logical3A_50 = vector.broadcast %shift_right_logical3A_49 : i32 to vector<16xi32>
      %shift_right_logical3A_51 = arith.shrui %get3A_48, %shift_right_logical3A_50 : vector<16xi32>
      %and3A_52 = arith.constant 4095 : i32
      %and3A_53 = vector.broadcast %and3A_52 : i32 to vector<16xi32>
      %and3A_54 = arith.andi %shift_right_logical3A_51, %and3A_53 : vector<16xi32>
      tpu.vector_store_idx %arg5[%and3A_54], %broadcast_in_dim3A_9 {add = true} : memref<4096xi32, #tpu.memory_space<vmem>>[vector<16xi32>], vector<16xi32>,
      %add3A_55 = arith.constant 48 : i32
      %add3A_56 = arith.addi %mul3A_27, %add3A_55 : i32
      %get3A_57 = arith.index_cast %add3A_56 : i32 to index
      %get3A_58 = tpu.vector_load %arg4[%get3A_57] {strides = array<i32>} : memref<65536xi32, #tpu.memory_space<vmem>>, vector<16xi32>,
      %shift_right_logical3A_59 = arith.constant 18 : i32
      %shift_right_logical3A_60 = vector.broadcast %shift_right_logical3A_59 : i32 to vector<16xi32>
      %shift_right_logical3A_61 = arith.shrui %get3A_58, %shift_right_logical3A_60 : vector<16xi32>
      %and3A_62 = arith.constant 4095 : i32
      %and3A_63 = vector.broadcast %and3A_62 : i32 to vector<16xi32>
      %and3A_64 = arith.andi %shift_right_logical3A_61, %and3A_63 : vector<16xi32>
      tpu.vector_store_idx %arg6[%and3A_64], %broadcast_in_dim3A_9 {add = true} : memref<4096xi32, #tpu.memory_space<vmem>>[vector<16xi32>], vector<16xi32>,
      %add3A_65 = arith.constant 64 : i32
      %add3A_66 = arith.addi %mul3A_27, %add3A_65 : i32
      %get3A_67 = arith.index_cast %add3A_66 : i32 to index
      %get3A_68 = tpu.vector_load %arg4[%get3A_67] {strides = array<i32>} : memref<65536xi32, #tpu.memory_space<vmem>>, vector<16xi32>,
      %shift_right_logical3A_69 = arith.constant 18 : i32
      %shift_right_logical3A_70 = vector.broadcast %shift_right_logical3A_69 : i32 to vector<16xi32>
      %shift_right_logical3A_71 = arith.shrui %get3A_68, %shift_right_logical3A_70 : vector<16xi32>
      %and3A_72 = arith.constant 4095 : i32
      %and3A_73 = vector.broadcast %and3A_72 : i32 to vector<16xi32>
      %and3A_74 = arith.andi %shift_right_logical3A_71, %and3A_73 : vector<16xi32>
      tpu.vector_store_idx %arg5[%and3A_74], %broadcast_in_dim3A_9 {add = true} : memref<4096xi32, #tpu.memory_space<vmem>>[vector<16xi32>], vector<16xi32>,
      %add3A_75 = arith.constant 80 : i32
      %add3A_76 = arith.addi %mul3A_27, %add3A_75 : i32
      %get3A_77 = arith.index_cast %add3A_76 : i32 to index
      %get3A_78 = tpu.vector_load %arg4[%get3A_77] {strides = array<i32>} : memref<65536xi32, #tpu.memory_space<vmem>>, vector<16xi32>,
      %shift_right_logical3A_79 = arith.constant 18 : i32
      %shift_right_logical3A_80 = vector.broadcast %shift_right_logical3A_79 : i32 to vector<16xi32>
      %shift_right_logical3A_81 = arith.shrui %get3A_78, %shift_right_logical3A_80 : vector<16xi32>
      %and3A_82 = arith.constant 4095 : i32
      %and3A_83 = vector.broadcast %and3A_82 : i32 to vector<16xi32>
      %and3A_84 = arith.andi %shift_right_logical3A_81, %and3A_83 : vector<16xi32>
      tpu.vector_store_idx %arg6[%and3A_84], %broadcast_in_dim3A_9 {add = true} : memref<4096xi32, #tpu.memory_space<vmem>>[vector<16xi32>], vector<16xi32>,
      %add3A_85 = arith.constant 96 : i32
      %add3A_86 = arith.addi %mul3A_27, %add3A_85 : i32
      %get3A_87 = arith.index_cast %add3A_86 : i32 to index
      %get3A_88 = tpu.vector_load %arg4[%get3A_87] {strides = array<i32>} : memref<65536xi32, #tpu.memory_space<vmem>>, vector<16xi32>,
      %shift_right_logical3A_89 = arith.constant 18 : i32
      %shift_right_logical3A_90 = vector.broadcast %shift_right_logical3A_89 : i32 to vector<16xi32>
      %shift_right_logical3A_91 = arith.shrui %get3A_88, %shift_right_logical3A_90 : vector<16xi32>
      %and3A_92 = arith.constant 4095 : i32
      %and3A_93 = vector.broadcast %and3A_92 : i32 to vector<16xi32>
      %and3A_94 = arith.andi %shift_right_logical3A_91, %and3A_93 : vector<16xi32>
      tpu.vector_store_idx %arg5[%and3A_94], %broadcast_in_dim3A_9 {add = true} : memref<4096xi32, #tpu.memory_space<vmem>>[vector<16xi32>], vector<16xi32>,
      %add3A_95 = arith.constant 112 : i32
      %add3A_96 = arith.addi %mul3A_27, %add3A_95 : i32
      %get3A_97 = arith.index_cast %add3A_96 : i32 to index
      %get3A_98 = tpu.vector_load %arg4[%get3A_97] {strides = array<i32>} : memref<65536xi32, #tpu.memory_space<vmem>>, vector<16xi32>,
      %shift_right_logical3A_99 = arith.constant 18 : i32
      %shift_right_logical3A_100 = vector.broadcast %shift_right_logical3A_99 : i32 to vector<16xi32>
      %shift_right_logical3A_101 = arith.shrui %get3A_98, %shift_right_logical3A_100 : vector<16xi32>
      %and3A_102 = arith.constant 4095 : i32
      %and3A_103 = vector.broadcast %and3A_102 : i32 to vector<16xi32>
      %and3A_104 = arith.andi %shift_right_logical3A_101, %and3A_103 : vector<16xi32>
      tpu.vector_store_idx %arg6[%and3A_104], %broadcast_in_dim3A_9 {add = true} : memref<4096xi32, #tpu.memory_space<vmem>>[vector<16xi32>], vector<16xi32>,
      %scan3A_105 = arith.constant 0 : i32
      scf.yield %scan3A_105 : i32
    }
    %scan3A_16 = arith.constant 512 : i32
    %scan3A_17 = arith.constant 0 : i32
    %scan3A_18 = arith.constant 0 : i32
    %scan3A_19 = arith.constant 256 : i32
    %scan3A_20 = arith.addi %scan3A_18, %scan3A_19 : i32
    %scan3A_21 = arith.constant 1 : i32
    %scan3A_22 = scf.for %scan3A_24 = %scan3A_18 to %scan3A_20 step %scan3A_21 iter_args(%scan3A_25 = %scan3A_17) -> (i32)  : i32 {
      %mul3A_26 = arith.constant 16 : i32
      %mul3A_27 = arith.muli %scan3A_24, %mul3A_26 : i32
      %get3A = arith.index_cast %mul3A_27 : i32 to index
      %get3A_28 = tpu.vector_load %arg5[%get3A] {strides = array<i32>} : memref<4096xi32, #tpu.memory_space<vmem>>, vector<16xi32>,
      %get3A_29 = arith.index_cast %mul3A_27 : i32 to index
      %get3A_30 = tpu.vector_load %arg6[%get3A_29] {strides = array<i32>} : memref<4096xi32, #tpu.memory_space<vmem>>, vector<16xi32>,
      %add3A_31 = arith.addi %get3A_28, %get3A_30 : vector<16xi32>
      %swap3A = arith.index_cast %mul3A_27 : i32 to index
      %swap3A_32 = tpu.vector_load %arg5[%swap3A] {strides = array<i32>} : memref<4096xi32, #tpu.memory_space<vmem>>, vector<16xi32>,
      tpu.vector_store %arg5[%swap3A], %add3A_31 {strides = array<i32>} : memref<4096xi32, #tpu.memory_space<vmem>>, vector<16xi32>,
      %scan3A_33 = arith.constant 0 : i32
      scf.yield %scan3A_33 : i32
    }
    %scan3A_23 = arith.constant 256 : i32
    "tpu.region"() ({
      %run_scoped3A = tpu.sem_alloc : memref<!tpu.dma_semaphore, #tpu.memory_space<semaphore_mem>>
      %dma_start3A = arith.constant 0 : i32
      %dma_start3A_24 = tpu.memref_slice %arg3[%add3A, %dma_start3A] : memref<32x4096xi32, #tpu.memory_space<hbm>> -> memref<1x4096xi32, #tpu.memory_space<hbm>>
      %dma_start3A_25 = tpu.memref_squeeze %dma_start3A_24 : memref<1x4096xi32, #tpu.memory_space<hbm>> -> memref<4096xi32, #tpu.memory_space<hbm>>
      %dma_start3A_26 = arith.constant 0 : i32
      %dma_start3A_27 = tpu.memref_slice %arg3[%add3A, %dma_start3A_26] : memref<32x4096xi32, #tpu.memory_space<hbm>> -> memref<1x4096xi32, #tpu.memory_space<hbm>>
      %dma_start3A_28 = tpu.memref_squeeze %dma_start3A_27 : memref<1x4096xi32, #tpu.memory_space<hbm>> -> memref<4096xi32, #tpu.memory_space<hbm>>
      tpu.enqueue_dma source(%arg5 : memref<4096xi32, #tpu.memory_space<vmem>>) target(%dma_start3A_28 : memref<4096xi32, #tpu.memory_space<hbm>>) target_semaphore(%run_scoped3A : memref<!tpu.dma_semaphore, #tpu.memory_space<semaphore_mem>>)
      %dma_wait3A = arith.constant 0 : i32
      %dma_wait3A_29 = tpu.memref_slice %arg3[%add3A, %dma_wait3A] : memref<32x4096xi32, #tpu.memory_space<hbm>> -> memref<1x4096xi32, #tpu.memory_space<hbm>>
      %dma_wait3A_30 = tpu.memref_squeeze %dma_wait3A_29 : memref<1x4096xi32, #tpu.memory_space<hbm>> -> memref<4096xi32, #tpu.memory_space<hbm>>
      %dma_wait3A_31 = arith.constant 0 : i32
      %dma_wait3A_32 = tpu.memref_slice %arg3[%add3A, %dma_wait3A_31] : memref<32x4096xi32, #tpu.memory_space<hbm>> -> memref<1x4096xi32, #tpu.memory_space<hbm>>
      %dma_wait3A_33 = tpu.memref_squeeze %dma_wait3A_32 : memref<1x4096xi32, #tpu.memory_space<hbm>> -> memref<4096xi32, #tpu.memory_space<hbm>>
      tpu.wait_dma2 semaphore(%run_scoped3A : memref<!tpu.dma_semaphore, #tpu.memory_space<semaphore_mem>>) src(%arg5 : memref<4096xi32, #tpu.memory_space<vmem>>) dst(%dma_wait3A_33 : memref<4096xi32, #tpu.memory_space<hbm>>)
      tpu.yield
    }) : () -> ()
    return
  }
}

#map = affine_map<(d0, d1) -> (0)>
#map1 = affine_map<(d0, d1) -> (0, 0)>
module attributes {stable_mosaic.version = 14 : i64} {
  func.func @body(%arg0: i32, %arg1: i32, %arg2: memref<2097152xi32, #tpu.memory_space<hbm>>, %arg3: memref<16xi32, #tpu.memory_space<hbm>>, %arg4: memref<32x4096xi32, #tpu.memory_space<hbm>>, %arg5: memref<65536xi32, #tpu.memory_space<vmem>>, %arg6: memref<4096xi32, #tpu.memory_space<vmem>>, %arg7: memref<4096xi32, #tpu.memory_space<vmem>>, %arg8: memref<16xi32, #tpu.memory_space<vmem>>) attributes {dimension_semantics = [#tpu.dimension_semantics<core_parallel>, #tpu.dimension_semantics<subcore_parallel>], iteration_bounds = array<i64: 2, 16>, scalar_prefetch = 0 : i64, scratch_operands = 4 : i64, tpu.core_type = #tpu.core_type<sc_vector_subcore>, window_params = [{transform_indices = #map}, {transform_indices = #map}, {transform_indices = #map1}]} {
    %mul3A = arith.constant 2 : i32
    %mul3A_0 = arith.muli %arg1, %mul3A : i32
    %add3A = arith.addi %mul3A_0, %arg0 : i32
    %mul3A_1 = arith.constant 65536 : i32
    %mul3A_2 = arith.muli %add3A, %mul3A_1 : i32
    "tpu.region"() ({
      %run_scoped3A = tpu.sem_alloc : memref<!tpu.dma_semaphore, #tpu.memory_space<semaphore_mem>>
      %dma_start3A = tpu.memref_slice %arg2[%mul3A_2] : memref<2097152xi32, #tpu.memory_space<hbm>> -> memref<65536xi32, #tpu.memory_space<hbm>>
      %dma_start3A_25 = tpu.memref_slice %arg2[%mul3A_2] : memref<2097152xi32, #tpu.memory_space<hbm>> -> memref<65536xi32, #tpu.memory_space<hbm>>
      tpu.enqueue_dma source(%dma_start3A_25 : memref<65536xi32, #tpu.memory_space<hbm>>) target(%arg5 : memref<65536xi32, #tpu.memory_space<vmem>>) target_semaphore(%run_scoped3A : memref<!tpu.dma_semaphore, #tpu.memory_space<semaphore_mem>>)
      %dma_wait3A = tpu.memref_slice %arg2[%mul3A_2] : memref<2097152xi32, #tpu.memory_space<hbm>> -> memref<65536xi32, #tpu.memory_space<hbm>>
      %dma_wait3A_26 = tpu.memref_slice %arg2[%mul3A_2] : memref<2097152xi32, #tpu.memory_space<hbm>> -> memref<65536xi32, #tpu.memory_space<hbm>>
      tpu.wait_dma2 semaphore(%run_scoped3A : memref<!tpu.dma_semaphore, #tpu.memory_space<semaphore_mem>>) src(%dma_wait3A_26 : memref<65536xi32, #tpu.memory_space<hbm>>) dst(%arg5 : memref<65536xi32, #tpu.memory_space<vmem>>)
      tpu.yield
    }) : () -> ()
    "tpu.region"() ({
      %run_scoped3A = tpu.sem_alloc : memref<!tpu.dma_semaphore, #tpu.memory_space<semaphore_mem>>
      tpu.enqueue_dma source(%arg3 : memref<16xi32, #tpu.memory_space<hbm>>) target(%arg8 : memref<16xi32, #tpu.memory_space<vmem>>) target_semaphore(%run_scoped3A : memref<!tpu.dma_semaphore, #tpu.memory_space<semaphore_mem>>)
      tpu.wait_dma2 semaphore(%run_scoped3A : memref<!tpu.dma_semaphore, #tpu.memory_space<semaphore_mem>>) src(%arg3 : memref<16xi32, #tpu.memory_space<hbm>>) dst(%arg8 : memref<16xi32, #tpu.memory_space<vmem>>)
      tpu.yield
    }) : () -> ()
    %get3A = arith.constant 0 : index
    %get3A_3 = tpu.vector_load %arg8[%get3A] {strides = array<i32>} : memref<16xi32, #tpu.memory_space<vmem>>, vector<16xi32>,
    %scan3A = arith.constant 0 : i32
    %scan3A_4 = arith.constant 0 : i32
    %scan3A_5 = arith.constant 256 : i32
    %scan3A_6 = arith.addi %scan3A_4, %scan3A_5 : i32
    %scan3A_7 = arith.constant 1 : i32
    %scan3A_8 = scf.for %scan3A_25 = %scan3A_4 to %scan3A_6 step %scan3A_7 iter_args(%scan3A_26 = %scan3A) -> (i32)  : i32 {
      %broadcast_in_dim3A_27 = arith.constant 0 : i32
      %broadcast_in_dim3A_28 = vector.broadcast %broadcast_in_dim3A_27 : i32 to vector<16xi32>
      %mul3A_29 = arith.constant 16 : i32
      %mul3A_30 = arith.muli %scan3A_25, %mul3A_29 : i32
      %swap3A = arith.index_cast %mul3A_30 : i32 to index
      %swap3A_31 = tpu.vector_load %arg6[%swap3A] {strides = array<i32>} : memref<4096xi32, #tpu.memory_space<vmem>>, vector<16xi32>,
      tpu.vector_store %arg6[%swap3A], %broadcast_in_dim3A_28 {strides = array<i32>} : memref<4096xi32, #tpu.memory_space<vmem>>, vector<16xi32>,
      %broadcast_in_dim3A_32 = arith.constant 0 : i32
      %broadcast_in_dim3A_33 = vector.broadcast %broadcast_in_dim3A_32 : i32 to vector<16xi32>
      %mul3A_34 = arith.constant 16 : i32
      %mul3A_35 = arith.muli %scan3A_25, %mul3A_34 : i32
      %swap3A_36 = arith.index_cast %mul3A_35 : i32 to index
      %swap3A_37 = tpu.vector_load %arg7[%swap3A_36] {strides = array<i32>} : memref<4096xi32, #tpu.memory_space<vmem>>, vector<16xi32>,
      tpu.vector_store %arg7[%swap3A_36], %broadcast_in_dim3A_33 {strides = array<i32>} : memref<4096xi32, #tpu.memory_space<vmem>>, vector<16xi32>,
      %scan3A_38 = arith.constant 0 : i32
      scf.yield %scan3A_38 : i32
    }
    %scan3A_9 = arith.constant 256 : i32
    %broadcast_in_dim3A = arith.constant 1 : i32
    %broadcast_in_dim3A_10 = vector.broadcast %broadcast_in_dim3A : i32 to vector<16xi32>
    %scan3A_11 = arith.constant 0 : i32
    %scan3A_12 = arith.constant 0 : i32
    %scan3A_13 = arith.constant 512 : i32
    %scan3A_14 = arith.addi %scan3A_12, %scan3A_13 : i32
    %scan3A_15 = arith.constant 1 : i32
    %scan3A_16 = scf.for %scan3A_25 = %scan3A_12 to %scan3A_14 step %scan3A_15 iter_args(%scan3A_26 = %scan3A_11) -> (i32)  : i32 {
      %mul3A_27 = arith.constant 128 : i32
      %mul3A_28 = arith.muli %scan3A_25, %mul3A_27 : i32
      %add3A_29 = arith.constant 0 : i32
      %add3A_30 = arith.addi %mul3A_28, %add3A_29 : i32
      %get3A_31 = arith.index_cast %add3A_30 : i32 to index
      %get3A_32 = tpu.vector_load %arg5[%get3A_31] {strides = array<i32>} : memref<65536xi32, #tpu.memory_space<vmem>>, vector<16xi32>,
      %shift_right_logical3A = arith.constant 6 : i32
      %shift_right_logical3A_33 = vector.broadcast %shift_right_logical3A : i32 to vector<16xi32>
      %shift_right_logical3A_34 = arith.shrui %get3A_32, %shift_right_logical3A_33 : vector<16xi32>
      %and3A = arith.constant 4095 : i32
      %and3A_35 = vector.broadcast %and3A : i32 to vector<16xi32>
      %and3A_36 = arith.andi %shift_right_logical3A_34, %and3A_35 : vector<16xi32>
      %shift_right_logical3A_37 = arith.constant 18 : i32
      %shift_right_logical3A_38 = vector.broadcast %shift_right_logical3A_37 : i32 to vector<16xi32>
      %shift_right_logical3A_39 = arith.shrui %get3A_32, %shift_right_logical3A_38 : vector<16xi32>
      %eq3A = arith.cmpi eq, %shift_right_logical3A_39, %get3A_3 : vector<16xi32>
      tpu.vector_store_idx %arg6[%and3A_36], %broadcast_in_dim3A_10 masked %eq3A {add = true} : memref<4096xi32, #tpu.memory_space<vmem>>[vector<16xi32>], vector<16xi32>, vector<16xi1>
      %add3A_40 = arith.constant 16 : i32
      %add3A_41 = arith.addi %mul3A_28, %add3A_40 : i32
      %get3A_42 = arith.index_cast %add3A_41 : i32 to index
      %get3A_43 = tpu.vector_load %arg5[%get3A_42] {strides = array<i32>} : memref<65536xi32, #tpu.memory_space<vmem>>, vector<16xi32>,
      %shift_right_logical3A_44 = arith.constant 6 : i32
      %shift_right_logical3A_45 = vector.broadcast %shift_right_logical3A_44 : i32 to vector<16xi32>
      %shift_right_logical3A_46 = arith.shrui %get3A_43, %shift_right_logical3A_45 : vector<16xi32>
      %and3A_47 = arith.constant 4095 : i32
      %and3A_48 = vector.broadcast %and3A_47 : i32 to vector<16xi32>
      %and3A_49 = arith.andi %shift_right_logical3A_46, %and3A_48 : vector<16xi32>
      %shift_right_logical3A_50 = arith.constant 18 : i32
      %shift_right_logical3A_51 = vector.broadcast %shift_right_logical3A_50 : i32 to vector<16xi32>
      %shift_right_logical3A_52 = arith.shrui %get3A_43, %shift_right_logical3A_51 : vector<16xi32>
      %eq3A_53 = arith.cmpi eq, %shift_right_logical3A_52, %get3A_3 : vector<16xi32>
      tpu.vector_store_idx %arg7[%and3A_49], %broadcast_in_dim3A_10 masked %eq3A_53 {add = true} : memref<4096xi32, #tpu.memory_space<vmem>>[vector<16xi32>], vector<16xi32>, vector<16xi1>
      %add3A_54 = arith.constant 32 : i32
      %add3A_55 = arith.addi %mul3A_28, %add3A_54 : i32
      %get3A_56 = arith.index_cast %add3A_55 : i32 to index
      %get3A_57 = tpu.vector_load %arg5[%get3A_56] {strides = array<i32>} : memref<65536xi32, #tpu.memory_space<vmem>>, vector<16xi32>,
      %shift_right_logical3A_58 = arith.constant 6 : i32
      %shift_right_logical3A_59 = vector.broadcast %shift_right_logical3A_58 : i32 to vector<16xi32>
      %shift_right_logical3A_60 = arith.shrui %get3A_57, %shift_right_logical3A_59 : vector<16xi32>
      %and3A_61 = arith.constant 4095 : i32
      %and3A_62 = vector.broadcast %and3A_61 : i32 to vector<16xi32>
      %and3A_63 = arith.andi %shift_right_logical3A_60, %and3A_62 : vector<16xi32>
      %shift_right_logical3A_64 = arith.constant 18 : i32
      %shift_right_logical3A_65 = vector.broadcast %shift_right_logical3A_64 : i32 to vector<16xi32>
      %shift_right_logical3A_66 = arith.shrui %get3A_57, %shift_right_logical3A_65 : vector<16xi32>
      %eq3A_67 = arith.cmpi eq, %shift_right_logical3A_66, %get3A_3 : vector<16xi32>
      tpu.vector_store_idx %arg6[%and3A_63], %broadcast_in_dim3A_10 masked %eq3A_67 {add = true} : memref<4096xi32, #tpu.memory_space<vmem>>[vector<16xi32>], vector<16xi32>, vector<16xi1>
      %add3A_68 = arith.constant 48 : i32
      %add3A_69 = arith.addi %mul3A_28, %add3A_68 : i32
      %get3A_70 = arith.index_cast %add3A_69 : i32 to index
      %get3A_71 = tpu.vector_load %arg5[%get3A_70] {strides = array<i32>} : memref<65536xi32, #tpu.memory_space<vmem>>, vector<16xi32>,
      %shift_right_logical3A_72 = arith.constant 6 : i32
      %shift_right_logical3A_73 = vector.broadcast %shift_right_logical3A_72 : i32 to vector<16xi32>
      %shift_right_logical3A_74 = arith.shrui %get3A_71, %shift_right_logical3A_73 : vector<16xi32>
      %and3A_75 = arith.constant 4095 : i32
      %and3A_76 = vector.broadcast %and3A_75 : i32 to vector<16xi32>
      %and3A_77 = arith.andi %shift_right_logical3A_74, %and3A_76 : vector<16xi32>
      %shift_right_logical3A_78 = arith.constant 18 : i32
      %shift_right_logical3A_79 = vector.broadcast %shift_right_logical3A_78 : i32 to vector<16xi32>
      %shift_right_logical3A_80 = arith.shrui %get3A_71, %shift_right_logical3A_79 : vector<16xi32>
      %eq3A_81 = arith.cmpi eq, %shift_right_logical3A_80, %get3A_3 : vector<16xi32>
      tpu.vector_store_idx %arg7[%and3A_77], %broadcast_in_dim3A_10 masked %eq3A_81 {add = true} : memref<4096xi32, #tpu.memory_space<vmem>>[vector<16xi32>], vector<16xi32>, vector<16xi1>
      %add3A_82 = arith.constant 64 : i32
      %add3A_83 = arith.addi %mul3A_28, %add3A_82 : i32
      %get3A_84 = arith.index_cast %add3A_83 : i32 to index
      %get3A_85 = tpu.vector_load %arg5[%get3A_84] {strides = array<i32>} : memref<65536xi32, #tpu.memory_space<vmem>>, vector<16xi32>,
      %shift_right_logical3A_86 = arith.constant 6 : i32
      %shift_right_logical3A_87 = vector.broadcast %shift_right_logical3A_86 : i32 to vector<16xi32>
      %shift_right_logical3A_88 = arith.shrui %get3A_85, %shift_right_logical3A_87 : vector<16xi32>
      %and3A_89 = arith.constant 4095 : i32
      %and3A_90 = vector.broadcast %and3A_89 : i32 to vector<16xi32>
      %and3A_91 = arith.andi %shift_right_logical3A_88, %and3A_90 : vector<16xi32>
      %shift_right_logical3A_92 = arith.constant 18 : i32
      %shift_right_logical3A_93 = vector.broadcast %shift_right_logical3A_92 : i32 to vector<16xi32>
      %shift_right_logical3A_94 = arith.shrui %get3A_85, %shift_right_logical3A_93 : vector<16xi32>
      %eq3A_95 = arith.cmpi eq, %shift_right_logical3A_94, %get3A_3 : vector<16xi32>
      tpu.vector_store_idx %arg6[%and3A_91], %broadcast_in_dim3A_10 masked %eq3A_95 {add = true} : memref<4096xi32, #tpu.memory_space<vmem>>[vector<16xi32>], vector<16xi32>, vector<16xi1>
      %add3A_96 = arith.constant 80 : i32
      %add3A_97 = arith.addi %mul3A_28, %add3A_96 : i32
      %get3A_98 = arith.index_cast %add3A_97 : i32 to index
      %get3A_99 = tpu.vector_load %arg5[%get3A_98] {strides = array<i32>} : memref<65536xi32, #tpu.memory_space<vmem>>, vector<16xi32>,
      %shift_right_logical3A_100 = arith.constant 6 : i32
      %shift_right_logical3A_101 = vector.broadcast %shift_right_logical3A_100 : i32 to vector<16xi32>
      %shift_right_logical3A_102 = arith.shrui %get3A_99, %shift_right_logical3A_101 : vector<16xi32>
      %and3A_103 = arith.constant 4095 : i32
      %and3A_104 = vector.broadcast %and3A_103 : i32 to vector<16xi32>
      %and3A_105 = arith.andi %shift_right_logical3A_102, %and3A_104 : vector<16xi32>
      %shift_right_logical3A_106 = arith.constant 18 : i32
      %shift_right_logical3A_107 = vector.broadcast %shift_right_logical3A_106 : i32 to vector<16xi32>
      %shift_right_logical3A_108 = arith.shrui %get3A_99, %shift_right_logical3A_107 : vector<16xi32>
      %eq3A_109 = arith.cmpi eq, %shift_right_logical3A_108, %get3A_3 : vector<16xi32>
      tpu.vector_store_idx %arg7[%and3A_105], %broadcast_in_dim3A_10 masked %eq3A_109 {add = true} : memref<4096xi32, #tpu.memory_space<vmem>>[vector<16xi32>], vector<16xi32>, vector<16xi1>
      %add3A_110 = arith.constant 96 : i32
      %add3A_111 = arith.addi %mul3A_28, %add3A_110 : i32
      %get3A_112 = arith.index_cast %add3A_111 : i32 to index
      %get3A_113 = tpu.vector_load %arg5[%get3A_112] {strides = array<i32>} : memref<65536xi32, #tpu.memory_space<vmem>>, vector<16xi32>,
      %shift_right_logical3A_114 = arith.constant 6 : i32
      %shift_right_logical3A_115 = vector.broadcast %shift_right_logical3A_114 : i32 to vector<16xi32>
      %shift_right_logical3A_116 = arith.shrui %get3A_113, %shift_right_logical3A_115 : vector<16xi32>
      %and3A_117 = arith.constant 4095 : i32
      %and3A_118 = vector.broadcast %and3A_117 : i32 to vector<16xi32>
      %and3A_119 = arith.andi %shift_right_logical3A_116, %and3A_118 : vector<16xi32>
      %shift_right_logical3A_120 = arith.constant 18 : i32
      %shift_right_logical3A_121 = vector.broadcast %shift_right_logical3A_120 : i32 to vector<16xi32>
      %shift_right_logical3A_122 = arith.shrui %get3A_113, %shift_right_logical3A_121 : vector<16xi32>
      %eq3A_123 = arith.cmpi eq, %shift_right_logical3A_122, %get3A_3 : vector<16xi32>
      tpu.vector_store_idx %arg6[%and3A_119], %broadcast_in_dim3A_10 masked %eq3A_123 {add = true} : memref<4096xi32, #tpu.memory_space<vmem>>[vector<16xi32>], vector<16xi32>, vector<16xi1>
      %add3A_124 = arith.constant 112 : i32
      %add3A_125 = arith.addi %mul3A_28, %add3A_124 : i32
      %get3A_126 = arith.index_cast %add3A_125 : i32 to index
      %get3A_127 = tpu.vector_load %arg5[%get3A_126] {strides = array<i32>} : memref<65536xi32, #tpu.memory_space<vmem>>, vector<16xi32>,
      %shift_right_logical3A_128 = arith.constant 6 : i32
      %shift_right_logical3A_129 = vector.broadcast %shift_right_logical3A_128 : i32 to vector<16xi32>
      %shift_right_logical3A_130 = arith.shrui %get3A_127, %shift_right_logical3A_129 : vector<16xi32>
      %and3A_131 = arith.constant 4095 : i32
      %and3A_132 = vector.broadcast %and3A_131 : i32 to vector<16xi32>
      %and3A_133 = arith.andi %shift_right_logical3A_130, %and3A_132 : vector<16xi32>
      %shift_right_logical3A_134 = arith.constant 18 : i32
      %shift_right_logical3A_135 = vector.broadcast %shift_right_logical3A_134 : i32 to vector<16xi32>
      %shift_right_logical3A_136 = arith.shrui %get3A_127, %shift_right_logical3A_135 : vector<16xi32>
      %eq3A_137 = arith.cmpi eq, %shift_right_logical3A_136, %get3A_3 : vector<16xi32>
      tpu.vector_store_idx %arg7[%and3A_133], %broadcast_in_dim3A_10 masked %eq3A_137 {add = true} : memref<4096xi32, #tpu.memory_space<vmem>>[vector<16xi32>], vector<16xi32>, vector<16xi1>
      %scan3A_138 = arith.constant 0 : i32
      scf.yield %scan3A_138 : i32
    }
    %scan3A_17 = arith.constant 512 : i32
    %scan3A_18 = arith.constant 0 : i32
    %scan3A_19 = arith.constant 0 : i32
    %scan3A_20 = arith.constant 256 : i32
    %scan3A_21 = arith.addi %scan3A_19, %scan3A_20 : i32
    %scan3A_22 = arith.constant 1 : i32
    %scan3A_23 = scf.for %scan3A_25 = %scan3A_19 to %scan3A_21 step %scan3A_22 iter_args(%scan3A_26 = %scan3A_18) -> (i32)  : i32 {
      %mul3A_27 = arith.constant 16 : i32
      %mul3A_28 = arith.muli %scan3A_25, %mul3A_27 : i32
      %get3A_29 = arith.index_cast %mul3A_28 : i32 to index
      %get3A_30 = tpu.vector_load %arg6[%get3A_29] {strides = array<i32>} : memref<4096xi32, #tpu.memory_space<vmem>>, vector<16xi32>,
      %get3A_31 = arith.index_cast %mul3A_28 : i32 to index
      %get3A_32 = tpu.vector_load %arg7[%get3A_31] {strides = array<i32>} : memref<4096xi32, #tpu.memory_space<vmem>>, vector<16xi32>,
      %add3A_33 = arith.addi %get3A_30, %get3A_32 : vector<16xi32>
      %swap3A = arith.index_cast %mul3A_28 : i32 to index
      %swap3A_34 = tpu.vector_load %arg6[%swap3A] {strides = array<i32>} : memref<4096xi32, #tpu.memory_space<vmem>>, vector<16xi32>,
      tpu.vector_store %arg6[%swap3A], %add3A_33 {strides = array<i32>} : memref<4096xi32, #tpu.memory_space<vmem>>, vector<16xi32>,
      %scan3A_35 = arith.constant 0 : i32
      scf.yield %scan3A_35 : i32
    }
    %scan3A_24 = arith.constant 256 : i32
    "tpu.region"() ({
      %run_scoped3A = tpu.sem_alloc : memref<!tpu.dma_semaphore, #tpu.memory_space<semaphore_mem>>
      %dma_start3A = arith.constant 0 : i32
      %dma_start3A_25 = tpu.memref_slice %arg4[%add3A, %dma_start3A] : memref<32x4096xi32, #tpu.memory_space<hbm>> -> memref<1x4096xi32, #tpu.memory_space<hbm>>
      %dma_start3A_26 = tpu.memref_squeeze %dma_start3A_25 : memref<1x4096xi32, #tpu.memory_space<hbm>> -> memref<4096xi32, #tpu.memory_space<hbm>>
      %dma_start3A_27 = arith.constant 0 : i32
      %dma_start3A_28 = tpu.memref_slice %arg4[%add3A, %dma_start3A_27] : memref<32x4096xi32, #tpu.memory_space<hbm>> -> memref<1x4096xi32, #tpu.memory_space<hbm>>
      %dma_start3A_29 = tpu.memref_squeeze %dma_start3A_28 : memref<1x4096xi32, #tpu.memory_space<hbm>> -> memref<4096xi32, #tpu.memory_space<hbm>>
      tpu.enqueue_dma source(%arg6 : memref<4096xi32, #tpu.memory_space<vmem>>) target(%dma_start3A_29 : memref<4096xi32, #tpu.memory_space<hbm>>) target_semaphore(%run_scoped3A : memref<!tpu.dma_semaphore, #tpu.memory_space<semaphore_mem>>)
      %dma_wait3A = arith.constant 0 : i32
      %dma_wait3A_30 = tpu.memref_slice %arg4[%add3A, %dma_wait3A] : memref<32x4096xi32, #tpu.memory_space<hbm>> -> memref<1x4096xi32, #tpu.memory_space<hbm>>
      %dma_wait3A_31 = tpu.memref_squeeze %dma_wait3A_30 : memref<1x4096xi32, #tpu.memory_space<hbm>> -> memref<4096xi32, #tpu.memory_space<hbm>>
      %dma_wait3A_32 = arith.constant 0 : i32
      %dma_wait3A_33 = tpu.memref_slice %arg4[%add3A, %dma_wait3A_32] : memref<32x4096xi32, #tpu.memory_space<hbm>> -> memref<1x4096xi32, #tpu.memory_space<hbm>>
      %dma_wait3A_34 = tpu.memref_squeeze %dma_wait3A_33 : memref<1x4096xi32, #tpu.memory_space<hbm>> -> memref<4096xi32, #tpu.memory_space<hbm>>
      tpu.wait_dma2 semaphore(%run_scoped3A : memref<!tpu.dma_semaphore, #tpu.memory_space<semaphore_mem>>) src(%arg6 : memref<4096xi32, #tpu.memory_space<vmem>>) dst(%dma_wait3A_34 : memref<4096xi32, #tpu.memory_space<hbm>>)
      tpu.yield
    }) : () -> ()
    return
  }
}

module attributes {stable_mosaic.version = 14 : i64} {
  func.func @_finder_body(%arg0: memref<1x1xi32, #tpu.memory_space<smem>>, %arg1: memref<32x32x128xi32, #tpu.memory_space<vmem>>, %arg2: memref<1x2xi32, #tpu.memory_space<smem>>) attributes {dimension_semantics = [], scalar_prefetch = 0 : i64, scratch_operands = 0 : i64, tpu.core_type = #tpu.core_type<tc>} {
    %get3A = arith.constant 0 : index
    %get3A_0 = arith.constant 0 : index
    %get3A_1 = memref.load %arg0[%get3A, %get3A_0] : memref<1x1xi32, #tpu.memory_space<smem>>
    %convert_element_type3A = arith.sitofp %get3A_1 : i32 to f32
    %get3A_2 = arith.constant 0 : index
    %get3A_3 = arith.constant 0 : index
    %get3A_4 = arith.constant 0 : index
    %get3A_5 = vector.load %arg1[%get3A_2, %get3A_3, %get3A_4] : memref<32x32x128xi32, #tpu.memory_space<vmem>>, vector<32x32x128xi32>
    %convert_element_type3A_6 = arith.sitofp %get3A_5 : vector<32x32x128xi32> to vector<32x32x128xf32>
    %reduce_sum3A = arith.constant dense<0.000000e+00> : vector<32x128xf32>
    %reduce_sum3A_7 = vector.multi_reduction <add>, %convert_element_type3A_6, %reduce_sum3A [0] : vector<32x32x128xf32> to vector<32x128xf32>
    %reduce_sum3A_8 = arith.constant dense<0.000000e+00> : vector<32xf32>
    %reduce_sum3A_9 = vector.multi_reduction <add>, %reduce_sum3A_7, %reduce_sum3A_8 [1] : vector<32x128xf32> to vector<32xf32>
    %broadcast_in_dim3A = vector.shape_cast %reduce_sum3A_9 : vector<32xf32> to vector<32x1xf32>
    %iota3A = tpu.iota {dimensions = array<i32: 0>} : vector<32x32xi32>
    %iota3A_10 = tpu.iota {dimensions = array<i32: 1>} : vector<32x32xi32>
    %lt3A = arith.cmpi slt, %iota3A_10, %iota3A : vector<32x32xi32>
    %convert_element_type3A_11 = arith.extui %lt3A : vector<32x32xi1> to vector<32x32xi32>
    %convert_element_type3A_12 = arith.sitofp %convert_element_type3A_11 : vector<32x32xi32> to vector<32x32xf32>
    %dot_general3A = arith.constant dense<0.000000e+00> : vector<32x1xf32>
    %dot_general3A_13 = tpu.matmul %convert_element_type3A_12, %broadcast_in_dim3A, %dot_general3A {dimension_numbers = #tpu.dot_dimension_numbers<[1], [0], [0], [1], [0, 0, 1, 1], [], []>, precision = #tpu.contract_precision<fp32>, transpose_lhs_hint = false} : vector<32x32xf32>, vector<32x1xf32>, vector<32x1xf32> -> vector<32x1xf32>
    %iota3A_14 = tpu.iota {dimensions = array<i32: 0>} : vector<128x128xi32>
    %iota3A_15 = tpu.iota {dimensions = array<i32: 1>} : vector<128x128xi32>
    %le3A = arith.cmpi sle, %iota3A_14, %iota3A_15 : vector<128x128xi32>
    %convert_element_type3A_16 = arith.extui %le3A : vector<128x128xi1> to vector<128x128xi32>
    %convert_element_type3A_17 = arith.sitofp %convert_element_type3A_16 : vector<128x128xi32> to vector<128x128xf32>
    %dot_general3A_18 = arith.constant dense<0.000000e+00> : vector<32x128xf32>
    %dot_general3A_19 = tpu.matmul %reduce_sum3A_7, %convert_element_type3A_17, %dot_general3A_18 {dimension_numbers = #tpu.dot_dimension_numbers<[1], [0], [0], [1], [0, 0, 1, 1], [], []>, precision = #tpu.contract_precision<fp32>, transpose_lhs_hint = false} : vector<32x128xf32>, vector<128x128xf32>, vector<32x128xf32> -> vector<32x128xf32>
    %add3A = vector.broadcast %dot_general3A_13 : vector<32x1xf32> to vector<32x128xf32>
    %add3A_20 = arith.addf %add3A, %dot_general3A_19 : vector<32x128xf32>
    %le3A_21 = vector.broadcast %convert_element_type3A : f32 to vector<32x128xf32>
    %le3A_22 = arith.cmpf ole, %add3A_20, %le3A_21 : vector<32x128xf32>
    %convert_element_type3A_23 = arith.extui %le3A_22 : vector<32x128xi1> to vector<32x128xi32>
    %reduce_sum3A_24 = vector.shape_cast %convert_element_type3A_23 : vector<32x128xi32> to vector<1x32x128xi32>
    %reduce_sum3A_25 = arith.constant dense<0> : vector<1xi32>
    %reduce_sum3A_26 = vector.multi_reduction <add>, %reduce_sum3A_24, %reduce_sum3A_25 [1, 2] : vector<1x32x128xi32> to vector<1xi32>
    %reduce_sum3A_27 = vector.shape_cast %reduce_sum3A_26 : vector<1xi32> to vector<1x1x1xi32>
    %reduce_sum3A_28 = vector.extract %reduce_sum3A_27[0, 0, 0] : i32 from vector<1x1x1xi32>
    %swap3A = arith.constant 0 : index
    %swap3A_29 = arith.constant 0 : index
    %swap3A_30 = memref.load %arg2[%swap3A, %swap3A_29] : memref<1x2xi32, #tpu.memory_space<smem>>
    memref.store %reduce_sum3A_28, %arg2[%swap3A, %swap3A_29] : memref<1x2xi32, #tpu.memory_space<smem>>
    %jit3A = arith.constant 0.000000e+00 : f32
    %broadcast_in_dim3A_31 = vector.broadcast %jit3A : f32 to vector<32x128xf32>
    %select_n3A = arith.select %le3A_22, %add3A_20, %broadcast_in_dim3A_31 : vector<32x128xi1>, vector<32x128xf32>
    %reduce_max3A = vector.shape_cast %select_n3A : vector<32x128xf32> to vector<1x32x128xf32>
    %reduce_max3A_32 = arith.constant dense<0xFF800000> : vector<1xf32>
    %reduce_max3A_33 = vector.multi_reduction <maximumf>, %reduce_max3A, %reduce_max3A_32 [1, 2] : vector<1x32x128xf32> to vector<1xf32>
    %reduce_max3A_34 = vector.shape_cast %reduce_max3A_33 : vector<1xf32> to vector<1x1x1xf32>
    %reduce_max3A_35 = vector.extract %reduce_max3A_34[0, 0, 0] : f32 from vector<1x1x1xf32>
    %convert_element_type3A_36 = arith.fptosi %reduce_max3A_35 : f32 to i32
    %swap3A_37 = arith.constant 0 : index
    %swap3A_38 = arith.constant 1 : index
    %swap3A_39 = memref.load %arg2[%swap3A_37, %swap3A_38] : memref<1x2xi32, #tpu.memory_space<smem>>
    memref.store %convert_element_type3A_36, %arg2[%swap3A_37, %swap3A_38] : memref<1x2xi32, #tpu.memory_space<smem>>
    return
  }
}

module attributes {stable_mosaic.version = 14 : i64} {
  func.func @_fused_body(%arg0: i32, %arg1: i32, %arg2: memref<1x19x64x512xf32, #tpu.memory_space<vmem>>, %arg3: memref<1x64x512xi32, #tpu.memory_space<vmem>>, %arg4: memref<1x2xf32, #tpu.memory_space<smem>>, %arg5: memref<1x64x512xi32, #tpu.memory_space<vmem>>) attributes {dimension_semantics = [#tpu.dimension_semantics<arbitrary>, #tpu.dimension_semantics<arbitrary>], iteration_bounds = array<i64: 8, 8>, scalar_prefetch = 0 : i64, scratch_operands = 0 : i64, tpu.core_type = #tpu.core_type<tc>, window_params = [{transform_indices = @transform_0, window_bounds = array<i64: 1, 19, 64, 512>}, {transform_indices = @transform_1, window_bounds = array<i64: 1, 64, 512>}, {transform_indices = @transform_2, window_bounds = array<i64: 1, 2>}, {transform_indices = @transform_3, window_bounds = array<i64: 1, 64, 512>}]} {
    %get3A = arith.constant 0 : index
    %get3A_0 = arith.constant 0 : index
    %get3A_1 = arith.constant 0 : index
    %get3A_2 = vector.load %arg3[%get3A, %get3A_0, %get3A_1] : memref<1x64x512xi32, #tpu.memory_space<vmem>>, vector<1x64x512xi32>
    %get3A_3 = vector.shape_cast %get3A_2 : vector<1x64x512xi32> to vector<64x512xi32>
    %get3A_4 = arith.constant 0 : index
    %get3A_5 = arith.constant 0 : index
    %get3A_6 = arith.constant 0 : index
    %get3A_7 = arith.constant 0 : index
    %get3A_8 = vector.load %arg2[%get3A_4, %get3A_5, %get3A_6, %get3A_7] : memref<1x19x64x512xf32, #tpu.memory_space<vmem>>, vector<1x1x64x512xf32>
    %get3A_9 = vector.shape_cast %get3A_8 : vector<1x1x64x512xf32> to vector<64x512xf32>
    %scan3A = arith.constant 1 : i32
    %scan3A_10 = arith.constant 18 : i32
    %scan3A_11 = arith.addi %scan3A, %scan3A_10 : i32
    %scan3A_12 = arith.constant 1 : i32
    %scan3A_13 = scf.for %scan3A_50 = %scan3A to %scan3A_11 step %scan3A_12 iter_args(%scan3A_51 = %get3A_9) -> (vector<64x512xf32>)  : i32 {
      %get3A_52 = arith.constant 0 : index
      %get3A_53 = arith.index_cast %scan3A_50 : i32 to index
      %get3A_54 = arith.constant 0 : index
      %get3A_55 = arith.constant 0 : index
      %get3A_56 = vector.load %arg2[%get3A_52, %get3A_53, %get3A_54, %get3A_55] : memref<1x19x64x512xf32, #tpu.memory_space<vmem>>, vector<1x1x64x512xf32>
      %get3A_57 = vector.shape_cast %get3A_56 : vector<1x1x64x512xf32> to vector<64x512xf32>
      %max3A = arith.maximumf %scan3A_51, %get3A_57 : vector<64x512xf32>
      scf.yield %max3A : vector<64x512xf32>
    }
    %scan3A_14 = arith.constant 18 : i32
    %broadcast_in_dim3A = arith.constant 0.000000e+00 : f32
    %broadcast_in_dim3A_15 = vector.broadcast %broadcast_in_dim3A : f32 to vector<64x512xf32>
    %scan3A_16 = arith.constant 0 : i32
    %scan3A_17 = arith.constant 19 : i32
    %scan3A_18 = arith.addi %scan3A_16, %scan3A_17 : i32
    %scan3A_19 = arith.constant 1 : i32
    %scan3A_20:2 = scf.for %scan3A_50 = %scan3A_16 to %scan3A_18 step %scan3A_19 iter_args(%scan3A_51 = %broadcast_in_dim3A_15, %scan3A_52 = %broadcast_in_dim3A_15) -> (vector<64x512xf32>, vector<64x512xf32>)  : i32 {
      %get3A_53 = arith.constant 0 : index
      %get3A_54 = arith.index_cast %scan3A_50 : i32 to index
      %get3A_55 = arith.constant 0 : index
      %get3A_56 = arith.constant 0 : index
      %get3A_57 = vector.load %arg2[%get3A_53, %get3A_54, %get3A_55, %get3A_56] : memref<1x19x64x512xf32, #tpu.memory_space<vmem>>, vector<1x1x64x512xf32>
      %get3A_58 = vector.shape_cast %get3A_57 : vector<1x1x64x512xf32> to vector<64x512xf32>
      %sub3A_59 = arith.subf %get3A_58, %scan3A_13 : vector<64x512xf32>
      %exp3A_60 = math.exp %sub3A_59 : vector<64x512xf32>
      %add3A_61 = arith.addf %scan3A_51, %exp3A_60 : vector<64x512xf32>
      %eq3A_62 = vector.broadcast %scan3A_50 : i32 to vector<64x512xi32>
      %eq3A_63 = arith.cmpi eq, %get3A_3, %eq3A_62 : vector<64x512xi32>
      %jit3A_64 = arith.constant 0.000000e+00 : f32
      %broadcast_in_dim3A_65 = vector.broadcast %jit3A_64 : f32 to vector<64x512xf32>
      %select_n3A_66 = arith.select %eq3A_63, %get3A_58, %broadcast_in_dim3A_65 : vector<64x512xi1>, vector<64x512xf32>
      %add3A_67 = arith.addf %scan3A_52, %select_n3A_66 : vector<64x512xf32>
      scf.yield %add3A_61, %add3A_67 : vector<64x512xf32>, vector<64x512xf32>
    }
    %scan3A_21 = arith.constant 19 : i32
    %sub3A = arith.subf %scan3A_20#1, %scan3A_13 : vector<64x512xf32>
    %exp3A = math.exp %sub3A : vector<64x512xf32>
    %div3A = arith.divf %exp3A, %scan3A_20#0 : vector<64x512xf32>
    %log3A = math.log %scan3A_20#0 : vector<64x512xf32>
    %add3A = arith.addf %scan3A_13, %log3A : vector<64x512xf32>
    %sub3A_22 = arith.subf %add3A, %scan3A_20#1 : vector<64x512xf32>
    %lt3A = arith.constant 0.699999988 : f32
    %lt3A_23 = vector.broadcast %lt3A : f32 to vector<64x512xf32>
    %lt3A_24 = arith.cmpf olt, %div3A, %lt3A_23 : vector<64x512xf32>
    %jit3A = arith.constant 0.000000e+00 : f32
    %broadcast_in_dim3A_25 = vector.broadcast %jit3A : f32 to vector<64x512xf32>
    %select_n3A = arith.select %lt3A_24, %sub3A_22, %broadcast_in_dim3A_25 : vector<64x512xi1>, vector<64x512xf32>
    %reduce_sum3A = vector.shape_cast %select_n3A : vector<64x512xf32> to vector<1x64x512xf32>
    %reduce_sum3A_26 = arith.constant dense<0.000000e+00> : vector<1xf32>
    %reduce_sum3A_27 = vector.multi_reduction <add>, %reduce_sum3A, %reduce_sum3A_26 [1, 2] : vector<1x64x512xf32> to vector<1xf32>
    %reduce_sum3A_28 = vector.shape_cast %reduce_sum3A_27 : vector<1xf32> to vector<1x1x1xf32>
    %reduce_sum3A_29 = vector.extract %reduce_sum3A_28[0, 0, 0] : f32 from vector<1x1x1xf32>
    %convert_element_type3A = arith.extui %lt3A_24 : vector<64x512xi1> to vector<64x512xi32>
    %convert_element_type3A_30 = arith.sitofp %convert_element_type3A : vector<64x512xi32> to vector<64x512xf32>
    %reduce_sum3A_31 = vector.shape_cast %convert_element_type3A_30 : vector<64x512xf32> to vector<1x64x512xf32>
    %reduce_sum3A_32 = arith.constant dense<0.000000e+00> : vector<1xf32>
    %reduce_sum3A_33 = vector.multi_reduction <add>, %reduce_sum3A_31, %reduce_sum3A_32 [1, 2] : vector<1x64x512xf32> to vector<1xf32>
    %reduce_sum3A_34 = vector.shape_cast %reduce_sum3A_33 : vector<1xf32> to vector<1x1x1xf32>
    %reduce_sum3A_35 = vector.extract %reduce_sum3A_34[0, 0, 0] : f32 from vector<1x1x1xf32>
    %eq3A = arith.constant 0 : i32
    %eq3A_36 = arith.cmpi eq, %arg0, %eq3A : i32
    %eq3A_37 = arith.constant 0 : i32
    %eq3A_38 = arith.cmpi eq, %arg1, %eq3A_37 : i32
    %and3A = arith.andi %eq3A_36, %eq3A_38 : i1
    %convert_element_type3A_39 = arith.extui %and3A : i1 to i32
    %cond3A = arith.constant 0 : i32
    %cond3A_40 = arith.cmpi ne, %convert_element_type3A_39, %cond3A : i32
    scf.if %cond3A_40 {
      %swap3A_50 = arith.constant 0 : index
      %swap3A_51 = arith.constant 0 : index
      %swap3A_52 = memref.load %arg4[%swap3A_50, %swap3A_51] : memref<1x2xf32, #tpu.memory_space<smem>>
      memref.store %reduce_sum3A_29, %arg4[%swap3A_50, %swap3A_51] : memref<1x2xf32, #tpu.memory_space<smem>>
      %swap3A_53 = arith.constant 0 : index
      %swap3A_54 = arith.constant 1 : index
      %swap3A_55 = memref.load %arg4[%swap3A_53, %swap3A_54] : memref<1x2xf32, #tpu.memory_space<smem>>
      memref.store %reduce_sum3A_35, %arg4[%swap3A_53, %swap3A_54] : memref<1x2xf32, #tpu.memory_space<smem>>
    } else {
    }
    %not3A = arith.constant true
    %not3A_41 = arith.xori %and3A, %not3A : i1
    %convert_element_type3A_42 = arith.extui %not3A_41 : i1 to i32
    %cond3A_43 = arith.constant 0 : i32
    %cond3A_44 = arith.cmpi ne, %convert_element_type3A_42, %cond3A_43 : i32
    scf.if %cond3A_44 {
      %get3A_50 = arith.constant 0 : index
      %get3A_51 = arith.constant 0 : index
      %get3A_52 = memref.load %arg4[%get3A_50, %get3A_51] : memref<1x2xf32, #tpu.memory_space<smem>>
      %add3A_53 = arith.addf %get3A_52, %reduce_sum3A_29 : f32
      %swap3A_54 = arith.constant 0 : index
      %swap3A_55 = arith.constant 0 : index
      %swap3A_56 = memref.load %arg4[%swap3A_54, %swap3A_55] : memref<1x2xf32, #tpu.memory_space<smem>>
      memref.store %add3A_53, %arg4[%swap3A_54, %swap3A_55] : memref<1x2xf32, #tpu.memory_space<smem>>
      %get3A_57 = arith.constant 0 : index
      %get3A_58 = arith.constant 1 : index
      %get3A_59 = memref.load %arg4[%get3A_57, %get3A_58] : memref<1x2xf32, #tpu.memory_space<smem>>
      %add3A_60 = arith.addf %get3A_59, %reduce_sum3A_35 : f32
      %swap3A_61 = arith.constant 0 : index
      %swap3A_62 = arith.constant 1 : index
      %swap3A_63 = memref.load %arg4[%swap3A_61, %swap3A_62] : memref<1x2xf32, #tpu.memory_space<smem>>
      memref.store %add3A_60, %arg4[%swap3A_61, %swap3A_62] : memref<1x2xf32, #tpu.memory_space<smem>>
    } else {
    }
    %bitcast_convert_type3A = tpu.bitcast %div3A : vector<64x512xf32> -> vector<64x512xi32>
    %swap3A = arith.constant 0 : index
    %swap3A_45 = arith.constant 0 : index
    %swap3A_46 = arith.constant 0 : index
    %swap3A_47 = vector.load %arg5[%swap3A, %swap3A_45, %swap3A_46] : memref<1x64x512xi32, #tpu.memory_space<vmem>>, vector<1x64x512xi32>
    %swap3A_48 = vector.shape_cast %swap3A_47 : vector<1x64x512xi32> to vector<64x512xi32>
    %swap3A_49 = vector.shape_cast %bitcast_convert_type3A : vector<64x512xi32> to vector<1x64x512xi32>
    tpu.vector_store %arg5[%swap3A, %swap3A_45, %swap3A_46], %swap3A_49 {strides = array<i32>} : memref<1x64x512xi32, #tpu.memory_space<vmem>>, vector<1x64x512xi32>,
    return
  }
  func.func @transform_0(%arg0: i32, %arg1: i32) -> (i32, i32, i32, i32) {
    %c0_i32 = arith.constant 0 : i32
    %c0_i32_0 = arith.constant 0 : i32
    %c0_i32_1 = arith.constant 0 : i32
    return %arg0, %c0_i32, %arg1, %c0_i32_0 : i32, i32, i32, i32
  }
  func.func @transform_1(%arg0: i32, %arg1: i32) -> (i32, i32, i32) {
    %c0_i32 = arith.constant 0 : i32
    %c0_i32_0 = arith.constant 0 : i32
    return %arg0, %arg1, %c0_i32 : i32, i32, i32
  }
  func.func @transform_2(%arg0: i32, %arg1: i32) -> (i32, i32) {
    %c0_i32 = arith.constant 0 : i32
    %c0_i32_0 = arith.constant 0 : i32
    %c0_i32_1 = arith.constant 0 : i32
    return %c0_i32, %c0_i32_0 : i32, i32
  }
  func.func @transform_3(%arg0: i32, %arg1: i32) -> (i32, i32, i32) {
    %c0_i32 = arith.constant 0 : i32
    %c0_i32_0 = arith.constant 0 : i32
    return %arg0, %arg1, %c0_i32 : i32, i32, i32
  }
}

module attributes {stable_mosaic.version = 14 : i64} {
  func.func @_finder_body(%arg0: memref<1x1xi32, #tpu.memory_space<smem>>, %arg1: memref<32x32x128xi32, #tpu.memory_space<vmem>>, %arg2: memref<1x2xi32, #tpu.memory_space<smem>>) attributes {dimension_semantics = [], scalar_prefetch = 0 : i64, scratch_operands = 0 : i64, tpu.core_type = #tpu.core_type<tc>} {
    %get3A = arith.constant 0 : index
    %get3A_0 = arith.constant 0 : index
    %get3A_1 = memref.load %arg0[%get3A, %get3A_0] : memref<1x1xi32, #tpu.memory_space<smem>>
    %convert_element_type3A = arith.sitofp %get3A_1 : i32 to f32
    %get3A_2 = arith.constant 0 : index
    %get3A_3 = arith.constant 0 : index
    %get3A_4 = arith.constant 0 : index
    %get3A_5 = vector.load %arg1[%get3A_2, %get3A_3, %get3A_4] : memref<32x32x128xi32, #tpu.memory_space<vmem>>, vector<32x32x128xi32>
    %convert_element_type3A_6 = arith.sitofp %get3A_5 : vector<32x32x128xi32> to vector<32x32x128xf32>
    %reduce_sum3A = arith.constant dense<0.000000e+00> : vector<32x128xf32>
    %reduce_sum3A_7 = vector.multi_reduction <add>, %convert_element_type3A_6, %reduce_sum3A [0] : vector<32x32x128xf32> to vector<32x128xf32>
    %reduce_sum3A_8 = arith.constant dense<0.000000e+00> : vector<32xf32>
    %reduce_sum3A_9 = vector.multi_reduction <add>, %reduce_sum3A_7, %reduce_sum3A_8 [1] : vector<32x128xf32> to vector<32xf32>
    %broadcast_in_dim3A = vector.shape_cast %reduce_sum3A_9 : vector<32xf32> to vector<32x1xf32>
    %iota3A = tpu.iota {dimensions = array<i32: 0>} : vector<32x32xi32>
    %iota3A_10 = tpu.iota {dimensions = array<i32: 1>} : vector<32x32xi32>
    %lt3A = arith.cmpi slt, %iota3A_10, %iota3A : vector<32x32xi32>
    %convert_element_type3A_11 = arith.extui %lt3A : vector<32x32xi1> to vector<32x32xi32>
    %convert_element_type3A_12 = arith.sitofp %convert_element_type3A_11 : vector<32x32xi32> to vector<32x32xf32>
    %dot_general3A = arith.constant dense<0.000000e+00> : vector<32x1xf32>
    %dot_general3A_13 = tpu.matmul %convert_element_type3A_12, %broadcast_in_dim3A, %dot_general3A {dimension_numbers = #tpu.dot_dimension_numbers<[1], [0], [0], [1], [0, 0, 1, 1], [], []>, precision = #tpu.contract_precision<fp32>, transpose_lhs_hint = false} : vector<32x32xf32>, vector<32x1xf32>, vector<32x1xf32> -> vector<32x1xf32>
    %iota3A_14 = tpu.iota {dimensions = array<i32: 0>} : vector<128x128xi32>
    %iota3A_15 = tpu.iota {dimensions = array<i32: 1>} : vector<128x128xi32>
    %le3A = arith.cmpi sle, %iota3A_14, %iota3A_15 : vector<128x128xi32>
    %convert_element_type3A_16 = arith.extui %le3A : vector<128x128xi1> to vector<128x128xi32>
    %convert_element_type3A_17 = arith.sitofp %convert_element_type3A_16 : vector<128x128xi32> to vector<128x128xf32>
    %dot_general3A_18 = arith.constant dense<0.000000e+00> : vector<32x128xf32>
    %dot_general3A_19 = tpu.matmul %reduce_sum3A_7, %convert_element_type3A_17, %dot_general3A_18 {dimension_numbers = #tpu.dot_dimension_numbers<[1], [0], [0], [1], [0, 0, 1, 1], [], []>, precision = #tpu.contract_precision<fp32>, transpose_lhs_hint = false} : vector<32x128xf32>, vector<128x128xf32>, vector<32x128xf32> -> vector<32x128xf32>
    %add3A = vector.broadcast %dot_general3A_13 : vector<32x1xf32> to vector<32x128xf32>
    %add3A_20 = arith.addf %add3A, %dot_general3A_19 : vector<32x128xf32>
    %le3A_21 = vector.broadcast %convert_element_type3A : f32 to vector<32x128xf32>
    %le3A_22 = arith.cmpf ole, %add3A_20, %le3A_21 : vector<32x128xf32>
    %convert_element_type3A_23 = arith.extui %le3A_22 : vector<32x128xi1> to vector<32x128xi32>
    %reduce_sum3A_24 = vector.shape_cast %convert_element_type3A_23 : vector<32x128xi32> to vector<1x32x128xi32>
    %reduce_sum3A_25 = arith.constant dense<0> : vector<1xi32>
    %reduce_sum3A_26 = vector.multi_reduction <add>, %reduce_sum3A_24, %reduce_sum3A_25 [1, 2] : vector<1x32x128xi32> to vector<1xi32>
    %reduce_sum3A_27 = vector.shape_cast %reduce_sum3A_26 : vector<1xi32> to vector<1x1x1xi32>
    %reduce_sum3A_28 = vector.extract %reduce_sum3A_27[0, 0, 0] : i32 from vector<1x1x1xi32>
    %swap3A = arith.constant 0 : index
    %swap3A_29 = arith.constant 0 : index
    %swap3A_30 = memref.load %arg2[%swap3A, %swap3A_29] : memref<1x2xi32, #tpu.memory_space<smem>>
    memref.store %reduce_sum3A_28, %arg2[%swap3A, %swap3A_29] : memref<1x2xi32, #tpu.memory_space<smem>>
    %jit3A = arith.constant 0.000000e+00 : f32
    %broadcast_in_dim3A_31 = vector.broadcast %jit3A : f32 to vector<32x128xf32>
    %select_n3A = arith.select %le3A_22, %add3A_20, %broadcast_in_dim3A_31 : vector<32x128xi1>, vector<32x128xf32>
    %reduce_max3A = vector.shape_cast %select_n3A : vector<32x128xf32> to vector<1x32x128xf32>
    %reduce_max3A_32 = arith.constant dense<0xFF800000> : vector<1xf32>
    %reduce_max3A_33 = vector.multi_reduction <maximumf>, %reduce_max3A, %reduce_max3A_32 [1, 2] : vector<1x32x128xf32> to vector<1xf32>
    %reduce_max3A_34 = vector.shape_cast %reduce_max3A_33 : vector<1xf32> to vector<1x1x1xf32>
    %reduce_max3A_35 = vector.extract %reduce_max3A_34[0, 0, 0] : f32 from vector<1x1x1xf32>
    %convert_element_type3A_36 = arith.fptosi %reduce_max3A_35 : f32 to i32
    %swap3A_37 = arith.constant 0 : index
    %swap3A_38 = arith.constant 1 : index
    %swap3A_39 = memref.load %arg2[%swap3A_37, %swap3A_38] : memref<1x2xi32, #tpu.memory_space<smem>>
    memref.store %convert_element_type3A_36, %arg2[%swap3A_37, %swap3A_38] : memref<1x2xi32, #tpu.memory_space<smem>>
    return
  }
}

module attributes {stable_mosaic.version = 14 : i64} {
  func.func @_reduce_body(%arg0: i32, %arg1: i32, %arg2: memref<1x1xi32, #tpu.memory_space<smem>>, %arg3: memref<1x64x512xi32, #tpu.memory_space<vmem>>, %arg4: memref<1x64x512xf32, #tpu.memory_space<vmem>>, %arg5: memref<1x2xf32, #tpu.memory_space<smem>>) attributes {dimension_semantics = [#tpu.dimension_semantics<arbitrary>, #tpu.dimension_semantics<arbitrary>], iteration_bounds = array<i64: 8, 8>, scalar_prefetch = 0 : i64, scratch_operands = 0 : i64, tpu.core_type = #tpu.core_type<tc>, window_params = [{transform_indices = @transform_0, window_bounds = array<i64: 1, 1>}, {transform_indices = @transform_1, window_bounds = array<i64: 1, 64, 512>}, {transform_indices = @transform_2, window_bounds = array<i64: 1, 64, 512>}, {transform_indices = @transform_3, window_bounds = array<i64: 1, 2>}]} {
    %get3A = arith.constant 0 : index
    %get3A_0 = arith.constant 0 : index
    %get3A_1 = memref.load %arg2[%get3A, %get3A_0] : memref<1x1xi32, #tpu.memory_space<smem>>
    %get3A_2 = arith.constant 0 : index
    %get3A_3 = arith.constant 0 : index
    %get3A_4 = arith.constant 0 : index
    %get3A_5 = vector.load %arg3[%get3A_2, %get3A_3, %get3A_4] : memref<1x64x512xi32, #tpu.memory_space<vmem>>, vector<1x64x512xi32>
    %get3A_6 = vector.shape_cast %get3A_5 : vector<1x64x512xi32> to vector<64x512xi32>
    %lt3A = vector.broadcast %get3A_1 : i32 to vector<64x512xi32>
    %lt3A_7 = arith.cmpi slt, %get3A_6, %lt3A : vector<64x512xi32>
    %get3A_8 = arith.constant 0 : index
    %get3A_9 = arith.constant 0 : index
    %get3A_10 = arith.constant 0 : index
    %get3A_11 = vector.load %arg4[%get3A_8, %get3A_9, %get3A_10] : memref<1x64x512xf32, #tpu.memory_space<vmem>>, vector<1x64x512xf32>
    %get3A_12 = vector.shape_cast %get3A_11 : vector<1x64x512xf32> to vector<64x512xf32>
    %jit3A = arith.constant 0.000000e+00 : f32
    %broadcast_in_dim3A = vector.broadcast %jit3A : f32 to vector<64x512xf32>
    %select_n3A = arith.select %lt3A_7, %get3A_12, %broadcast_in_dim3A : vector<64x512xi1>, vector<64x512xf32>
    %reduce_sum3A = vector.shape_cast %select_n3A : vector<64x512xf32> to vector<1x64x512xf32>
    %reduce_sum3A_13 = arith.constant dense<0.000000e+00> : vector<1xf32>
    %reduce_sum3A_14 = vector.multi_reduction <add>, %reduce_sum3A, %reduce_sum3A_13 [1, 2] : vector<1x64x512xf32> to vector<1xf32>
    %reduce_sum3A_15 = vector.shape_cast %reduce_sum3A_14 : vector<1xf32> to vector<1x1x1xf32>
    %reduce_sum3A_16 = vector.extract %reduce_sum3A_15[0, 0, 0] : f32 from vector<1x1x1xf32>
    %convert_element_type3A = arith.extui %lt3A_7 : vector<64x512xi1> to vector<64x512xi32>
    %convert_element_type3A_17 = arith.sitofp %convert_element_type3A : vector<64x512xi32> to vector<64x512xf32>
    %reduce_sum3A_18 = vector.shape_cast %convert_element_type3A_17 : vector<64x512xf32> to vector<1x64x512xf32>
    %reduce_sum3A_19 = arith.constant dense<0.000000e+00> : vector<1xf32>
    %reduce_sum3A_20 = vector.multi_reduction <add>, %reduce_sum3A_18, %reduce_sum3A_19 [1, 2] : vector<1x64x512xf32> to vector<1xf32>
    %reduce_sum3A_21 = vector.shape_cast %reduce_sum3A_20 : vector<1xf32> to vector<1x1x1xf32>
    %reduce_sum3A_22 = vector.extract %reduce_sum3A_21[0, 0, 0] : f32 from vector<1x1x1xf32>
    %eq3A = arith.constant 0 : i32
    %eq3A_23 = arith.cmpi eq, %arg0, %eq3A : i32
    %eq3A_24 = arith.constant 0 : i32
    %eq3A_25 = arith.cmpi eq, %arg1, %eq3A_24 : i32
    %and3A = arith.andi %eq3A_23, %eq3A_25 : i1
    %convert_element_type3A_26 = arith.extui %and3A : i1 to i32
    %cond3A = arith.constant 0 : i32
    %cond3A_27 = arith.cmpi ne, %convert_element_type3A_26, %cond3A : i32
    scf.if %cond3A_27 {
      %swap3A = arith.constant 0 : index
      %swap3A_32 = arith.constant 0 : index
      %swap3A_33 = memref.load %arg5[%swap3A, %swap3A_32] : memref<1x2xf32, #tpu.memory_space<smem>>
      memref.store %reduce_sum3A_16, %arg5[%swap3A, %swap3A_32] : memref<1x2xf32, #tpu.memory_space<smem>>
      %swap3A_34 = arith.constant 0 : index
      %swap3A_35 = arith.constant 1 : index
      %swap3A_36 = memref.load %arg5[%swap3A_34, %swap3A_35] : memref<1x2xf32, #tpu.memory_space<smem>>
      memref.store %reduce_sum3A_22, %arg5[%swap3A_34, %swap3A_35] : memref<1x2xf32, #tpu.memory_space<smem>>
    } else {
    }
    %not3A = arith.constant true
    %not3A_28 = arith.xori %and3A, %not3A : i1
    %convert_element_type3A_29 = arith.extui %not3A_28 : i1 to i32
    %cond3A_30 = arith.constant 0 : i32
    %cond3A_31 = arith.cmpi ne, %convert_element_type3A_29, %cond3A_30 : i32
    scf.if %cond3A_31 {
      %get3A_32 = arith.constant 0 : index
      %get3A_33 = arith.constant 0 : index
      %get3A_34 = memref.load %arg5[%get3A_32, %get3A_33] : memref<1x2xf32, #tpu.memory_space<smem>>
      %add3A = arith.addf %get3A_34, %reduce_sum3A_16 : f32
      %swap3A = arith.constant 0 : index
      %swap3A_35 = arith.constant 0 : index
      %swap3A_36 = memref.load %arg5[%swap3A, %swap3A_35] : memref<1x2xf32, #tpu.memory_space<smem>>
      memref.store %add3A, %arg5[%swap3A, %swap3A_35] : memref<1x2xf32, #tpu.memory_space<smem>>
      %get3A_37 = arith.constant 0 : index
      %get3A_38 = arith.constant 1 : index
      %get3A_39 = memref.load %arg5[%get3A_37, %get3A_38] : memref<1x2xf32, #tpu.memory_space<smem>>
      %add3A_40 = arith.addf %get3A_39, %reduce_sum3A_22 : f32
      %swap3A_41 = arith.constant 0 : index
      %swap3A_42 = arith.constant 1 : index
      %swap3A_43 = memref.load %arg5[%swap3A_41, %swap3A_42] : memref<1x2xf32, #tpu.memory_space<smem>>
      memref.store %add3A_40, %arg5[%swap3A_41, %swap3A_42] : memref<1x2xf32, #tpu.memory_space<smem>>
    } else {
    }
    return
  }
  func.func @transform_0(%arg0: i32, %arg1: i32) -> (i32, i32) {
    %c0_i32 = arith.constant 0 : i32
    %c0_i32_0 = arith.constant 0 : i32
    %c0_i32_1 = arith.constant 0 : i32
    return %c0_i32, %c0_i32_0 : i32, i32
  }
  func.func @transform_1(%arg0: i32, %arg1: i32) -> (i32, i32, i32) {
    %c0_i32 = arith.constant 0 : i32
    %c0_i32_0 = arith.constant 0 : i32
    return %arg0, %arg1, %c0_i32 : i32, i32, i32
  }
  func.func @transform_2(%arg0: i32, %arg1: i32) -> (i32, i32, i32) {
    %c0_i32 = arith.constant 0 : i32
    %c0_i32_0 = arith.constant 0 : i32
    return %arg0, %arg1, %c0_i32 : i32, i32, i32
  }
  func.func @transform_3(%arg0: i32, %arg1: i32) -> (i32, i32) {
    %c0_i32 = arith.constant 0 : i32
    %c0_i32_0 = arith.constant 0 : i32
    %c0_i32_1 = arith.constant 0 : i32
    return %c0_i32, %c0_i32_0 : i32, i32
  }
}

module attributes {stable_mosaic.version = 14 : i64} {
  func.func @_fused_body(%arg0: i32, %arg1: i32, %arg2: memref<1x19x64x512xf32, #tpu.memory_space<vmem>>, %arg3: memref<1x64x512xi32, #tpu.memory_space<vmem>>, %arg4: memref<1x2xf32, #tpu.memory_space<smem>>, %arg5: memref<1x64x512xi32, #tpu.memory_space<vmem>>, %arg6: memref<1x64x512xf32, #tpu.memory_space<vmem>>) attributes {dimension_semantics = [#tpu.dimension_semantics<arbitrary>, #tpu.dimension_semantics<arbitrary>], iteration_bounds = array<i64: 8, 8>, scalar_prefetch = 0 : i64, scratch_operands = 0 : i64, tpu.core_type = #tpu.core_type<tc>, window_params = [{transform_indices = @transform_0, window_bounds = array<i64: 1, 19, 64, 512>}, {transform_indices = @transform_1, window_bounds = array<i64: 1, 64, 512>}, {transform_indices = @transform_2, window_bounds = array<i64: 1, 2>}, {transform_indices = @transform_3, window_bounds = array<i64: 1, 64, 512>}, {transform_indices = @transform_4, window_bounds = array<i64: 1, 64, 512>}]} {
    %get3A = arith.constant 0 : index
    %get3A_0 = arith.constant 0 : index
    %get3A_1 = arith.constant 0 : index
    %get3A_2 = vector.load %arg3[%get3A, %get3A_0, %get3A_1] : memref<1x64x512xi32, #tpu.memory_space<vmem>>, vector<1x64x512xi32>
    %get3A_3 = vector.shape_cast %get3A_2 : vector<1x64x512xi32> to vector<64x512xi32>
    %get3A_4 = arith.constant 0 : index
    %get3A_5 = arith.constant 0 : index
    %get3A_6 = arith.constant 0 : index
    %get3A_7 = arith.constant 0 : index
    %get3A_8 = vector.load %arg2[%get3A_4, %get3A_5, %get3A_6, %get3A_7] : memref<1x19x64x512xf32, #tpu.memory_space<vmem>>, vector<1x1x64x512xf32>
    %get3A_9 = vector.shape_cast %get3A_8 : vector<1x1x64x512xf32> to vector<64x512xf32>
    %scan3A = arith.constant 1 : i32
    %scan3A_10 = arith.constant 18 : i32
    %scan3A_11 = arith.addi %scan3A, %scan3A_10 : i32
    %scan3A_12 = arith.constant 1 : i32
    %scan3A_13 = scf.for %scan3A_56 = %scan3A to %scan3A_11 step %scan3A_12 iter_args(%scan3A_57 = %get3A_9) -> (vector<64x512xf32>)  : i32 {
      %get3A_58 = arith.constant 0 : index
      %get3A_59 = arith.index_cast %scan3A_56 : i32 to index
      %get3A_60 = arith.constant 0 : index
      %get3A_61 = arith.constant 0 : index
      %get3A_62 = vector.load %arg2[%get3A_58, %get3A_59, %get3A_60, %get3A_61] : memref<1x19x64x512xf32, #tpu.memory_space<vmem>>, vector<1x1x64x512xf32>
      %get3A_63 = vector.shape_cast %get3A_62 : vector<1x1x64x512xf32> to vector<64x512xf32>
      %max3A = arith.maximumf %scan3A_57, %get3A_63 : vector<64x512xf32>
      scf.yield %max3A : vector<64x512xf32>
    }
    %scan3A_14 = arith.constant 18 : i32
    %broadcast_in_dim3A = arith.constant 0.000000e+00 : f32
    %broadcast_in_dim3A_15 = vector.broadcast %broadcast_in_dim3A : f32 to vector<64x512xf32>
    %scan3A_16 = arith.constant 0 : i32
    %scan3A_17 = arith.constant 19 : i32
    %scan3A_18 = arith.addi %scan3A_16, %scan3A_17 : i32
    %scan3A_19 = arith.constant 1 : i32
    %scan3A_20:2 = scf.for %scan3A_56 = %scan3A_16 to %scan3A_18 step %scan3A_19 iter_args(%scan3A_57 = %broadcast_in_dim3A_15, %scan3A_58 = %broadcast_in_dim3A_15) -> (vector<64x512xf32>, vector<64x512xf32>)  : i32 {
      %get3A_59 = arith.constant 0 : index
      %get3A_60 = arith.index_cast %scan3A_56 : i32 to index
      %get3A_61 = arith.constant 0 : index
      %get3A_62 = arith.constant 0 : index
      %get3A_63 = vector.load %arg2[%get3A_59, %get3A_60, %get3A_61, %get3A_62] : memref<1x19x64x512xf32, #tpu.memory_space<vmem>>, vector<1x1x64x512xf32>
      %get3A_64 = vector.shape_cast %get3A_63 : vector<1x1x64x512xf32> to vector<64x512xf32>
      %sub3A_65 = arith.subf %get3A_64, %scan3A_13 : vector<64x512xf32>
      %exp3A_66 = math.exp %sub3A_65 : vector<64x512xf32>
      %add3A_67 = arith.addf %scan3A_57, %exp3A_66 : vector<64x512xf32>
      %eq3A_68 = vector.broadcast %scan3A_56 : i32 to vector<64x512xi32>
      %eq3A_69 = arith.cmpi eq, %get3A_3, %eq3A_68 : vector<64x512xi32>
      %jit3A_70 = arith.constant 0.000000e+00 : f32
      %broadcast_in_dim3A_71 = vector.broadcast %jit3A_70 : f32 to vector<64x512xf32>
      %select_n3A_72 = arith.select %eq3A_69, %get3A_64, %broadcast_in_dim3A_71 : vector<64x512xi1>, vector<64x512xf32>
      %add3A_73 = arith.addf %scan3A_58, %select_n3A_72 : vector<64x512xf32>
      scf.yield %add3A_67, %add3A_73 : vector<64x512xf32>, vector<64x512xf32>
    }
    %scan3A_21 = arith.constant 19 : i32
    %sub3A = arith.subf %scan3A_20#1, %scan3A_13 : vector<64x512xf32>
    %exp3A = math.exp %sub3A : vector<64x512xf32>
    %div3A = arith.divf %exp3A, %scan3A_20#0 : vector<64x512xf32>
    %log3A = math.log %scan3A_20#0 : vector<64x512xf32>
    %add3A = arith.addf %scan3A_13, %log3A : vector<64x512xf32>
    %sub3A_22 = arith.subf %add3A, %scan3A_20#1 : vector<64x512xf32>
    %lt3A = arith.constant 0.699999988 : f32
    %lt3A_23 = vector.broadcast %lt3A : f32 to vector<64x512xf32>
    %lt3A_24 = arith.cmpf olt, %div3A, %lt3A_23 : vector<64x512xf32>
    %jit3A = arith.constant 0.000000e+00 : f32
    %broadcast_in_dim3A_25 = vector.broadcast %jit3A : f32 to vector<64x512xf32>
    %select_n3A = arith.select %lt3A_24, %sub3A_22, %broadcast_in_dim3A_25 : vector<64x512xi1>, vector<64x512xf32>
    %reduce_sum3A = vector.shape_cast %select_n3A : vector<64x512xf32> to vector<1x64x512xf32>
    %reduce_sum3A_26 = arith.constant dense<0.000000e+00> : vector<1xf32>
    %reduce_sum3A_27 = vector.multi_reduction <add>, %reduce_sum3A, %reduce_sum3A_26 [1, 2] : vector<1x64x512xf32> to vector<1xf32>
    %reduce_sum3A_28 = vector.shape_cast %reduce_sum3A_27 : vector<1xf32> to vector<1x1x1xf32>
    %reduce_sum3A_29 = vector.extract %reduce_sum3A_28[0, 0, 0] : f32 from vector<1x1x1xf32>
    %convert_element_type3A = arith.extui %lt3A_24 : vector<64x512xi1> to vector<64x512xi32>
    %convert_element_type3A_30 = arith.sitofp %convert_element_type3A : vector<64x512xi32> to vector<64x512xf32>
    %reduce_sum3A_31 = vector.shape_cast %convert_element_type3A_30 : vector<64x512xf32> to vector<1x64x512xf32>
    %reduce_sum3A_32 = arith.constant dense<0.000000e+00> : vector<1xf32>
    %reduce_sum3A_33 = vector.multi_reduction <add>, %reduce_sum3A_31, %reduce_sum3A_32 [1, 2] : vector<1x64x512xf32> to vector<1xf32>
    %reduce_sum3A_34 = vector.shape_cast %reduce_sum3A_33 : vector<1xf32> to vector<1x1x1xf32>
    %reduce_sum3A_35 = vector.extract %reduce_sum3A_34[0, 0, 0] : f32 from vector<1x1x1xf32>
    %eq3A = arith.constant 0 : i32
    %eq3A_36 = arith.cmpi eq, %arg0, %eq3A : i32
    %eq3A_37 = arith.constant 0 : i32
    %eq3A_38 = arith.cmpi eq, %arg1, %eq3A_37 : i32
    %and3A = arith.andi %eq3A_36, %eq3A_38 : i1
    %convert_element_type3A_39 = arith.extui %and3A : i1 to i32
    %cond3A = arith.constant 0 : i32
    %cond3A_40 = arith.cmpi ne, %convert_element_type3A_39, %cond3A : i32
    scf.if %cond3A_40 {
      %swap3A_56 = arith.constant 0 : index
      %swap3A_57 = arith.constant 0 : index
      %swap3A_58 = memref.load %arg4[%swap3A_56, %swap3A_57] : memref<1x2xf32, #tpu.memory_space<smem>>
      memref.store %reduce_sum3A_29, %arg4[%swap3A_56, %swap3A_57] : memref<1x2xf32, #tpu.memory_space<smem>>
      %swap3A_59 = arith.constant 0 : index
      %swap3A_60 = arith.constant 1 : index
      %swap3A_61 = memref.load %arg4[%swap3A_59, %swap3A_60] : memref<1x2xf32, #tpu.memory_space<smem>>
      memref.store %reduce_sum3A_35, %arg4[%swap3A_59, %swap3A_60] : memref<1x2xf32, #tpu.memory_space<smem>>
    } else {
    }
    %not3A = arith.constant true
    %not3A_41 = arith.xori %and3A, %not3A : i1
    %convert_element_type3A_42 = arith.extui %not3A_41 : i1 to i32
    %cond3A_43 = arith.constant 0 : i32
    %cond3A_44 = arith.cmpi ne, %convert_element_type3A_42, %cond3A_43 : i32
    scf.if %cond3A_44 {
      %get3A_56 = arith.constant 0 : index
      %get3A_57 = arith.constant 0 : index
      %get3A_58 = memref.load %arg4[%get3A_56, %get3A_57] : memref<1x2xf32, #tpu.memory_space<smem>>
      %add3A_59 = arith.addf %get3A_58, %reduce_sum3A_29 : f32
      %swap3A_60 = arith.constant 0 : index
      %swap3A_61 = arith.constant 0 : index
      %swap3A_62 = memref.load %arg4[%swap3A_60, %swap3A_61] : memref<1x2xf32, #tpu.memory_space<smem>>
      memref.store %add3A_59, %arg4[%swap3A_60, %swap3A_61] : memref<1x2xf32, #tpu.memory_space<smem>>
      %get3A_63 = arith.constant 0 : index
      %get3A_64 = arith.constant 1 : index
      %get3A_65 = memref.load %arg4[%get3A_63, %get3A_64] : memref<1x2xf32, #tpu.memory_space<smem>>
      %add3A_66 = arith.addf %get3A_65, %reduce_sum3A_35 : f32
      %swap3A_67 = arith.constant 0 : index
      %swap3A_68 = arith.constant 1 : index
      %swap3A_69 = memref.load %arg4[%swap3A_67, %swap3A_68] : memref<1x2xf32, #tpu.memory_space<smem>>
      memref.store %add3A_66, %arg4[%swap3A_67, %swap3A_68] : memref<1x2xf32, #tpu.memory_space<smem>>
    } else {
    }
    %bitcast_convert_type3A = tpu.bitcast %div3A : vector<64x512xf32> -> vector<64x512xi32>
    %swap3A = arith.constant 0 : index
    %swap3A_45 = arith.constant 0 : index
    %swap3A_46 = arith.constant 0 : index
    %swap3A_47 = vector.load %arg5[%swap3A, %swap3A_45, %swap3A_46] : memref<1x64x512xi32, #tpu.memory_space<vmem>>, vector<1x64x512xi32>
    %swap3A_48 = vector.shape_cast %swap3A_47 : vector<1x64x512xi32> to vector<64x512xi32>
    %swap3A_49 = vector.shape_cast %bitcast_convert_type3A : vector<64x512xi32> to vector<1x64x512xi32>
    tpu.vector_store %arg5[%swap3A, %swap3A_45, %swap3A_46], %swap3A_49 {strides = array<i32>} : memref<1x64x512xi32, #tpu.memory_space<vmem>>, vector<1x64x512xi32>,
    %swap3A_50 = arith.constant 0 : index
    %swap3A_51 = arith.constant 0 : index
    %swap3A_52 = arith.constant 0 : index
    %swap3A_53 = vector.load %arg6[%swap3A_50, %swap3A_51, %swap3A_52] : memref<1x64x512xf32, #tpu.memory_space<vmem>>, vector<1x64x512xf32>
    %swap3A_54 = vector.shape_cast %swap3A_53 : vector<1x64x512xf32> to vector<64x512xf32>
    %swap3A_55 = vector.shape_cast %sub3A_22 : vector<64x512xf32> to vector<1x64x512xf32>
    tpu.vector_store %arg6[%swap3A_50, %swap3A_51, %swap3A_52], %swap3A_55 {strides = array<i32>} : memref<1x64x512xf32, #tpu.memory_space<vmem>>, vector<1x64x512xf32>,
    return
  }
  func.func @transform_0(%arg0: i32, %arg1: i32) -> (i32, i32, i32, i32) {
    %c0_i32 = arith.constant 0 : i32
    %c0_i32_0 = arith.constant 0 : i32
    %c0_i32_1 = arith.constant 0 : i32
    return %arg0, %c0_i32, %arg1, %c0_i32_0 : i32, i32, i32, i32
  }
  func.func @transform_1(%arg0: i32, %arg1: i32) -> (i32, i32, i32) {
    %c0_i32 = arith.constant 0 : i32
    %c0_i32_0 = arith.constant 0 : i32
    return %arg0, %arg1, %c0_i32 : i32, i32, i32
  }
  func.func @transform_2(%arg0: i32, %arg1: i32) -> (i32, i32) {
    %c0_i32 = arith.constant 0 : i32
    %c0_i32_0 = arith.constant 0 : i32
    %c0_i32_1 = arith.constant 0 : i32
    return %c0_i32, %c0_i32_0 : i32, i32
  }
  func.func @transform_3(%arg0: i32, %arg1: i32) -> (i32, i32, i32) {
    %c0_i32 = arith.constant 0 : i32
    %c0_i32_0 = arith.constant 0 : i32
    return %arg0, %arg1, %c0_i32 : i32, i32, i32
  }
  func.func @transform_4(%arg0: i32, %arg1: i32) -> (i32, i32, i32) {
    %c0_i32 = arith.constant 0 : i32
    %c0_i32_0 = arith.constant 0 : i32
    return %arg0, %arg1, %c0_i32 : i32, i32, i32
  }
}

</mosaic_0001>

<sc_bundles>
// kernel: branch_1_fun.6.cloned.1.call-start
scs
__scs_entry_jumppad:
0x0: {  	(pc) =	sbr.rel $0x88, $3  }
0x1: {  	(tag) =	ssettag $0x0;
	lr =	simm.s32 $0x1  }
0x2: {  	[smem:$0x3F9F] =	sst lr;
	_ =	strace $0xD0000000  }
0x3: {  	_ = 	snop  }
0x4: {  	_ = 	snop  }
0x5: {  	_ = 	snop  }
0x6: {  	_ = 	snop  }
0x7: {  	_ = 	snop  }
__scs_overlays_trampoline_lowered:
0x8: {  	[smem:$0x3FAE] =	sst s0  }
0x9: {  	[smem:$0x3FAF] =	sst s1  }
0xa: {  	[smem:$0x3FB0] =	sst s2  }
0xb: {  	[smem:$0x3FB1] =	sst s3  }
0xc: {  	[smem:$0x3FB2] =	sst s4  }
0xd: {  	[smem:$0x3FB3] =	sst s5  }
0xe: {  	[smem:$0x3FB4] =	sst s6  }
0xf: {  	[smem:$0x3FB5] =	sst s7  }
0x10: {  	[smem:$0x3FB6] =	sst s8  }
0x11: {  	[smem:$0x3FB7] =	sst s9;
	s0 =	simm.s32 @!p0 $0x0  }
0x12: {  	s1 =	sld [smem:$0x3F9D];
	s0 =	simm.s32 @p0 $0x1  }
0x13: {  	[smem:$0x3FB8] =	sst s0;
	s0 =	simm.s32 @!p1 $0x0  }
0x14: {  	s2 =	sld [smem:$0x3F9C];
	s0 =	simm.s32 @p1 $0x1  }
0x15: {  	[smem:$0x3FB9] =	sst s0;
	s0 =	simm.s32 @!p2 $0x0  }
0x16: {  	s3 =	sld [smem:$0x3FDB];
	s0 =	simm.s32 @p2 $0x1  }
0x17: {  	s4 =	simm.s32 $0x1BF5;
	[smem:$0x3FBB] =	sst s0  }
0x18: {  	s0 =	sld [smem:$0x3F9E];
	_ =	swait.ge [sflag:s4], $0x0  }
0x19: {  	s7 =	sld [smem:$0x3F9F]  }
0x1a: {  	s8 =	sadd.s32 $0xFFFFE003, lr  }
0x1b: {  	s9 =	sadd.s32 $0xFFFFFEF7, lr;
	s5 =	simm.s32 $0xFFFFFFFF;
	p2 =	slt.u32 s8, $0xFFFFF086  }
0x1c: {  	p1 =	slt.u32 s9, $0xF7A;
	s5 =	simm.s32 @!p2 $0x0  }
0x1d: {  	s5 =	simm.s32 @p1 $0x1;
	p0 =	seq.s32 s7, s2  }
0x1e: {  	s7 =	smul.u32 @!p0 $0xF7A, s2;
	p2 =	seq.s32 @!p0 s5, $0x0  }
0x1f: {  	s9 =	smul.u32 $0xF7A, s1;
	s8 =	simm.s32 @!p0 $0x1BF5;
	p2 =	por !p2, p0  }
0x20: {  	[sflag:s8] =	ssyncset.s32 @!p0 $0xFFFFF086;
	s6 =	sadd.s32 @!p0 s3, s7;
	s7 =	simm.s32 @!p0 $0x108  }
0x21: {  	s3 =	sadd.s32 s3, s9;
	s6 =	sadd.s32 @!p0 $0x88, s6;
	s7 =	simm.s32 @p2 $0x1082  }
0x22: {  	[simem:s7], [sflag:s8] =	dma.local @!p0 [hbm:s6], $0xF7A  }
0x23: {  	s9 =	sor.u32 $0xD0000000, s2;
	s6 =	simm.s32 $0x108;
	_ =	swait.ge @!p0 [sflag:s8], $0x0  }
0x24: {  	s3 =	sadd.s32 $0x88, s3;
	s6 =	simm.s32 @!p1 $0x1082;
	[sflag:s4] =	ssyncset.s32 $0xFFFFF086  }
0x25: {  	[simem:s6], [sflag:s4] =	dma.local [hbm:s3], $0xF7A  }
0x26: {  	[smem:$0x3F9F] =	sst s1;
	(tag) =	ssettag s2;
	_ =	strace s9  }
0x27: {  	s1 =	sld [smem:$0x3FAF]  }
0x28: {  	s2 =	sld [smem:$0x3FB0]  }
0x29: {  	s4 =	sld [smem:$0x3FB2]  }
0x2a: {  	p0 =	seq.s32 s5, $0x0;
	s5 =	sld [smem:$0x3FB3]  }
0x2b: {  	s6 =	sld [smem:$0x3FB4]  }
0x2c: {  	s7 =	sld [smem:$0x3FB5]  }
0x2d: {  	s3 =	simm.s32 $0x108;
	s8 =	sld [smem:$0x3FB6]  }
0x2e: {  	s3 =	simm.s32 @!p0 $0x1082;
	s9 =	sld [smem:$0x3FB7]  }
0x2f: {  	lr =	sadd.s32 s0, s3;
	s0 =	sld [smem:$0x3FAE]  }
0x30: {  	s3 =	sld [smem:$0x3FB1]  }
0x31: {  	[smem:$0x3FBA] =	sst s10  }
0x32: {  	s10 =	sld [smem:$0x3FB8];
	_ =	sdelay $0x3  }
0x33: {  	p0 =	seq.s32 s10, $0x1;
	s10 =	sld [smem:$0x3FBA];
	_ =	sdelay $0x3  }
0x34: {  	[smem:$0x3FBA] =	sst s10  }
0x35: {  	s10 =	sld [smem:$0x3FB9];
	_ =	sdelay $0x3  }
0x36: {  	p1 =	seq.s32 s10, $0x1;
	s10 =	sld [smem:$0x3FBA];
	_ =	sdelay $0x3  }
0x37: {  	[smem:$0x3FBA] =	sst s10  }
0x38: {  	s10 =	sld [smem:$0x3FBB]  }
0x39: {  	_ = 	snop;
	(pc) =	sbr.ind lr, $3  }
0x3a: {  	_ = 	snop  }
0x3b: {  	_ = 	snop  }
0x3c: {  	p2 =	seq.s32 s10, $0x1;
	s10 =	sld [smem:$0x3FBA]  }
0x3d: {  	_ =	shalt  }
0x3e: {  	_ =	shalt  }
0x3f: {  	_ =	shalt  }
0x40: {  	_ =	shalt  }
0x41: {  	_ =	shalt  }
0x42: {  	_ =	shalt  }
0x43: {  	_ =	shalt  }
0x44: {  	_ =	shalt  }
0x45: {  	_ =	shalt  }
0x46: {  	_ =	shalt  }
0x47: {  	_ =	shalt  }
0x48: {  	_ =	shalt  }
0x49: {  	_ =	shalt  }
0x4a: {  	_ =	shalt  }
0x4b: {  	_ =	shalt  }
0x4c: {  	_ =	shalt  }
0x4d: {  	_ =	shalt  }
0x4e: {  	_ =	shalt  }
0x4f: {  	_ =	shalt  }
0x50: {  	_ =	shalt  }
0x51: {  	_ =	shalt  }
0x52: {  	_ =	shalt  }
0x53: {  	_ =	shalt  }
0x54: {  	_ =	shalt  }
0x55: {  	_ =	shalt  }
0x56: {  	_ =	shalt  }
0x57: {  	_ =	shalt  }
0x58: {  	_ =	shalt  }
0x59: {  	_ =	shalt  }
0x5a: {  	_ =	shalt  }
0x5b: {  	_ =	shalt  }
0x5c: {  	_ =	shalt  }
0x5d: {  	_ =	shalt  }
0x5e: {  	_ =	shalt  }
0x5f: {  	_ =	shalt  }
0x60: {  	_ =	shalt  }
0x61: {  	_ =	shalt  }
0x62: {  	_ =	shalt  }
0x63: {  	_ =	shalt  }
0x64: {  	_ =	shalt  }
0x65: {  	_ =	shalt  }
0x66: {  	_ =	shalt  }
0x67: {  	_ =	shalt  }
0x68: {  	_ =	shalt  }
0x69: {  	_ =	shalt  }
0x6a: {  	_ =	shalt  }
0x6b: {  	_ =	shalt  }
0x6c: {  	_ =	shalt  }
0x6d: {  	_ =	shalt  }
0x6e: {  	_ =	shalt  }
0x6f: {  	_ =	shalt  }
0x70: {  	_ =	shalt  }
0x71: {  	_ =	shalt  }
0x72: {  	_ =	shalt  }
0x73: {  	_ =	shalt  }
0x74: {  	_ =	shalt  }
0x75: {  	_ =	shalt  }
0x76: {  	_ =	shalt  }
0x77: {  	_ =	shalt  }
0x78: {  	_ =	shalt  }
0x79: {  	_ =	shalt  }
0x7a: {  	_ =	shalt  }
0x7b: {  	_ =	shalt  }
0x7c: {  	_ =	shalt  }
0x7d: {  	_ =	shalt  }
0x7e: {  	_ =	shalt  }
0x7f: {  	_ =	shalt  }
0x80: {  	_ =	shalt  }
0x81: {  	_ =	shalt  }
0x82: {  	_ =	shalt  }
0x83: {  	_ =	shalt  }
0x84: {  	_ =	shalt  }
0x85: {  	_ =	shalt  }
0x86: {  	_ =	shalt  }
0x87: {  	_ =	shalt  }
.Lfunc_end0:
.L_simem_size_0:
called_computation_lowered:
.L_overlay_start_0:
0x88: {  	s2 =	sld [smem:$0x3FD9]  }
0x89: {  	s3 =	sld [smem:$0x3FFE];
	_ =	sdelay $0x1  }
0x8a: {  	s1 =	srdreg.scid  }
0x8b: {  	s0 =	sand.u32 $0x1, s1  }
0x8c: {  	s16 =	sshll.u32 s0, $0xA;
	s2 =	sadd.s32 s3, s2  }
0x8d: {  	s2 =	sadd.s32 s2, s16  }
0x8e: {  	[smem:$0x3FC6] =	sst s2  }
0x8f: {  	_ = 	snop  }
0x90: {  	(tm) =	ssettm $0x1  }
0x91: {  	s17 =	sld [smem:$0x3FFB];
	_ =	sdelay $0x3  }
0x92: {  	_ =	strace s17  }
0x93: {  	s2 =	sld [smem:$0x3FFC];
	_ =	sdelay $0x3  }
0x94: {  	_ =	strace s2  }
0x95: {  	s2 =	sld [smem:$0x3FFD];
	_ =	sdelay $0x3  }
0x96: {  	_ =	strace s2  }
0x97: {  	_ =	strace $0x8FFFFFFF  }
0x98: {  	s18 =	sld [smem:$0x3FDB];
	_ =	sdelay $0x1  }
0x99: {  	s19 =	simm.s32 $_scs_section_size  }
0x9a: {  	s4 =	simm.s32 $_size__tile_overlayer_lowered;
	s5 =	simm.s32 $_tile_overlayer_lowered  }
0x9b: {  	s22 =	simm.s32 $0x1BFF;
	s21 =	sshll.u32 s5, $0x1;
	s2 =	sadd.s32 s19, s18  }
0x9c: {  	s6 =	simm.s32 $0x0;
	s20 =	sshll.u32 s4, $0x1;
	s4 =	sadd.s32 s21, s2  }
0x9d: {  	[timem:s6], [sflag:s22] =	dma.local [hbm:s4], s20  }
0x9e: {  	_ =	swait.ge [sflag:s22], s20  }
0x9f: {  	s3 =	ssub.s32 $0x0, s20;
	[sflag:s22] =	ssyncset.done $0x0  }
0xa0: {  	[sflag:s22] =	ssyncadd.s32 s3;
	_ =	sdelay $0x1  }
0xa1: {  	s23 =	simm.s32 $0x1B8B  }
0xa2: {  	_ =	swait.ge [sflag:s23], $0x1  }
0xa3: {  	[sflag:s23] =	ssyncset.done $0x0  }
0xa4: {  	s25 =	simm.s32 $0x1B8E;
	s24 =	sld [smem:$0x3FFE];
	[sflag:s23] =	ssyncadd.s32 $0xFFFFFFFF  }
0xa5: {  	s26 =	simm.s32 $execute0_lowered;
	[smem:$0x3FD2] =	sst s25  }
0xa6: {  	s4 =	sshll.u32 s26, $0x1;
	_ =	strace $0x80000046;
	[dreg:$0x1] =	wrdreg $0xFFFFFFFF  }
0xa7: {  	s28 =	simm.s32 $_size_execute0_lowered;
	s2 =	sadd.s32 s2, s4;
	[dreg:$0x0] =	wrdreg $0x0  }
0xa8: {  	s4 =	sshll.u32 s28, $0x1;
	[dreg:$0x2] =	wrdreg s2  }
0xa9: {  	[dreg:$0x3] =	wrdreg s4  }
0xaa: {  	[dreg:$0x4] =	wrdreg $0xC0  }
0xab: {  	_ =	task [dreg:s6], $0x5FFFF  }
0xac: {  	[dreg:$0x1] =	wrdreg $0xFFFFFFFF  }
0xad: {  	[dreg:$0x0] =	wrdreg $0x60  }
0xae: {  	[dreg:$0x2] =	wrdreg s24  }
0xaf: {  	[dreg:$0x3] =	wrdreg $0x9  }
0xb0: {  	_ =	task.clear_ibuf [dreg:s6], $0x4FFFF;
	_ =	strace $0x90000046  }
0xb1: {  	s29 =	simm.s32 $0x9;
	_ =	strace $0x80000048  }
0xb2: {  	_ =	swait.ge [sflag:s29], $0x1  }
0xb3: {  	[sflag:s29] =	ssyncadd.s32 $0xFFFFFFFF  }
0xb4: {  	_ =	strace $0x90000048  }
0xb5: {  	_ =	sfence  }
0xb6: {  	s30 =	sld [smem:$0x0];
	_ =	sdelay $0x2  }
0xb7: {  	s31 =	sshll.u32 s1, $0xD;
	s1 =	sshrl.u32 s1, $0x2  }
0xb8: {  	s3 =	sand.u32 $0x4000, s31;
	s1 =	sadd.s32 s1, s30  }
0xb9: {  	s0 =	sor.u32 s3, s0;
	s1 =	sshll.u32 s1, $0x11  }
0xba: {  	s0 =	sor.u32 s1, s0  }
0xbb: {  	s0 =	sadd.s32 $0x8F2B, s0  }
0xbc: {  	[sflag:s0] =	ssyncadd.remote.s32 $0x1  }
0xbd: {  	_ =	sfence.sel $0xFFFF  }
0xbe: {  	[dreg:$0x0] =	wrdreg $0xFFFFFFFF;
	(pc) =	sbr.abs _section_cstart, $3  }
0xbf: {  	[dreg:$0x1] =	wrdreg $0xFFFFFFFF  }
0xc0: {  	_ =	task.clear_ibuf [dreg:s6], $0x2FFFF;
	_ =	strace $0x9FFFFFFF  }
0xc1: {  	(tm) =	ssettm $0x7FFFFFFF  }
tec
execute0_lowered:
.L_overlay_start_1:
0x0: {  	(tag) =	ssettag $0x1  }
0x1: {  	s4 =	rddreg [dreg:$0x0]  }
0x2: {  	s0 =	rddreg [dreg:$0x1]  }
0x3: {  	s3 =	srdreg.scid;
	s1 =	stileid.u32;
	s2 =	simm.s32 $0x0  }
0x4: {  	s10 =	simm.s32 $0x11000;
	s11 =	simm.s32 $0x80;
	s12 =	simm.s32 $0x400  }
0x5: {  	s13 =	simm.s32 $0x0;
	s5 =	sand.u32 $0x1, s3;
	s29 =	sshll.u32 s1, $0x1  }
0x6: {  	[smem:$0x7FF] =	sst s2;
	s8 =	sshll.u32 s1, $0xA;
	s6 =	sor.u32 s5, s29  }
0x7: {  	_ =	strace $0x80000047;
	s8 =	sand.u32 $0x3000, s8;
	s5 =	ssub.s32 $0x2, s5  }
0x8: {  	s3 =	sshll.u32 s6, $0xD;
	s6 =	sshll.u32 s6, $0x4;
	s8 =	sadd.s32 s8, s4  }
0x9: {  	s30 =	sshrl.u32 s5, $0x1;
	s7 =	sadd.s32 s3, s4;
	s3 =	sadd.s32 $0x42A00, s4  }
0xa: {  	s6 =	sand.u32 $0x70, s6;
	s9 =	ssub.s32 s5, s30;
	s4 =	sadd.s32 $0x2800, s7  }
0xb: {  	s31 =	sadd.s32 s6, s8;
	s6 =	smax.u32 s9, $0x1;
	s7 =	simm.s32 $0x1  }
0xc: {  	v0 =	vimm.s32 $0x0;
	v1 =	vimm.s32 $0x1;
	s8 =	simm.s32 $0x12000;
	s9 =	simm.s32 $0x10000;
	s5 =	sadd.s32 $0x42C00, s31  }
.LBB2_1:
0xd: {  	[tilespmem:s2], [sflag:$0x1] =	stream.linear.gather [hbm4b:s4+s2], $0x10000, $0x38;
	[tilespmem:$0x12080] =	vst v63  }
0xe: {  	_ =	swait.ge [sflag:s7], $0x10000  }
0xf: {  	[sflag:s7] =	ssyncset.done $0x0  }
0x10: {  	[sflag:s7] =	ssyncadd.s32 $0xFFFF0000  }
0x11: {  	[tilespmem:s8], [sflag:$0x1] =	stream.linear.gather [hbm4b:s3+s2], $0x80, $0x38;
	[tilespmem:$0x12080] =	vst v63  }
0x12: {  	_ =	swait.ge [sflag:s7], $0x80  }
0x13: {  	[sflag:s7] =	ssyncset.done $0x0  }
0x14: {  	[sflag:s7] =	ssyncadd.s32 $0xFFFFFF80  }
0x15: {  	s14 =	simm.s32 $0x40;
	s15 =	simm.s32 $0x0;
	v2 =	vld [tilespmem:$0x12000]  }
.LBB2_2:
0x16: {  	p0 =	sne.s32 s14, $0x3FC0;
	[tilespmem:s15+$0x10000] =	vst v0;
	s16 =	smov.u32 s14;
	s14 =	sadd.s32 $0x40, s14  }
.Ltmp0:
0x17: {  	[tilespmem:s15+$0x11000] =	vst v0;
	(pc) =	sbr.rel @p0 .LBB2_2-.Ltmp0, $2  }
0x18: {  	_ =	sdelay $0x2  }
0x19: {  	s15 =	sshra.s32 s16, $0x2  }
0x1a: {  	[tilespmem:s15+$0x10000] =	vst v0  }
0x1b: {  	s14 =	simm.s32 $0x0;
	[tilespmem:s15+$0x11000] =	vst v0  }
.LBB2_4:
0x1c: {  	s15 =	sshra.s32 s14, $0x2  }
0x1d: {  	v3 =	vld [tilespmem:s15+$0x0];
	_ =	sdelay $0x4  }
0x1e: {  	v4 =	vshrl.u32 v3, $0x12  }
0x1f: {  	v3 =	vshrl.u32 v3, $0x6;
	vm0 =	veq.s32 v4, v2  }
0x20: {  	v3 =	vand.u32 $0xFFF, v3;
	_ =	sdelay $0x4  }
0x21: {  	[tilespmem:v3+s9+$0x0] =	vst.idx.add.s32.msk vm0, v1  }
0x22: {  	v3 =	vld [tilespmem:s15+$0x10];
	_ =	sdelay $0x4  }
0x23: {  	v57 =	vshrl.u32 v3, $0x12  }
0x24: {  	v3 =	vshrl.u32 v3, $0x6;
	vm9 =	veq.s32 v57, v2  }
0x25: {  	v3 =	vand.u32 $0xFFF, v3;
	_ =	sdelay $0x4  }
0x26: {  	[tilespmem:v3+s10+$0x0] =	vst.idx.add.s32.msk vm9, v1  }
0x27: {  	v3 =	vld [tilespmem:s15+$0x20];
	_ =	sdelay $0x4  }
0x28: {  	v58 =	vshrl.u32 v3, $0x12  }
0x29: {  	v3 =	vshrl.u32 v3, $0x6;
	vm10 =	veq.s32 v58, v2  }
0x2a: {  	v3 =	vand.u32 $0xFFF, v3;
	_ =	sdelay $0x4  }
0x2b: {  	[tilespmem:v3+s9+$0x0] =	vst.idx.add.s32.msk vm10, v1  }
0x2c: {  	v3 =	vld [tilespmem:s15+$0x30];
	_ =	sdelay $0x4  }
0x2d: {  	v59 =	vshrl.u32 v3, $0x12  }
0x2e: {  	v3 =	vshrl.u32 v3, $0x6;
	vm11 =	veq.s32 v59, v2  }
0x2f: {  	v3 =	vand.u32 $0xFFF, v3;
	_ =	sdelay $0x4  }
0x30: {  	[tilespmem:v3+s10+$0x0] =	vst.idx.add.s32.msk vm11, v1  }
0x31: {  	v3 =	vld [tilespmem:s15+$0x40];
	_ =	sdelay $0x4  }
0x32: {  	v60 =	vshrl.u32 v3, $0x12  }
0x33: {  	v3 =	vshrl.u32 v3, $0x6;
	vm12 =	veq.s32 v60, v2  }
0x34: {  	v3 =	vand.u32 $0xFFF, v3;
	_ =	sdelay $0x4  }
0x35: {  	[tilespmem:v3+s9+$0x0] =	vst.idx.add.s32.msk vm12, v1  }
0x36: {  	v3 =	vld [tilespmem:s15+$0x50];
	_ =	sdelay $0x4  }
0x37: {  	v61 =	vshrl.u32 v3, $0x12  }
0x38: {  	v3 =	vshrl.u32 v3, $0x6;
	vm13 =	veq.s32 v61, v2  }
0x39: {  	v3 =	vand.u32 $0xFFF, v3;
	_ =	sdelay $0x4  }
0x3a: {  	[tilespmem:v3+s10+$0x0] =	vst.idx.add.s32.msk vm13, v1  }
0x3b: {  	v3 =	vld [tilespmem:s15+$0x60];
	_ =	sdelay $0x4  }
0x3c: {  	v62 =	vshrl.u32 v3, $0x12  }
0x3d: {  	v3 =	vshrl.u32 v3, $0x6;
	vm14 =	veq.s32 v62, v2  }
0x3e: {  	v3 =	vand.u32 $0xFFF, v3;
	_ =	sdelay $0x4  }
0x3f: {  	[tilespmem:v3+s9+$0x0] =	vst.idx.add.s32.msk vm14, v1  }
0x40: {  	v3 =	vld [tilespmem:s15+$0x70];
	_ =	sdelay $0x4  }
0x41: {  	v63 =	vshrl.u32 v3, $0x12  }
0x42: {  	v3 =	vshrl.u32 v3, $0x6;
	vm15 =	veq.s32 v63, v2  }
0x43: {  	p0 =	sne.s32 s14, $0x3FE00;
	v3 =	vand.u32 $0xFFF, v3  }
.Ltmp1:
0x44: {  	_ = 	snop;
	(pc) =	sbr.rel @p0 .LBB2_4-.Ltmp1, $2  }
0x45: {  	_ =	sdelay $0x2  }
0x46: {  	s14 =	sadd.s32 $0x200, s14;
	[tilespmem:v3+s10+$0x0] =	vst.idx.add.s32.msk vm15, v1  }
0x47: {  	s14 =	simm.s32 $0x0  }
0x48: {  	s15 =	simm.s32 $0x40;
	v2 =	vld [tilespmem:s14+$0x11000]  }
.LBB2_6:
0x49: {  	p0 =	sne.s32 s15, $0x3FC0;
	v3 =	vld [tilespmem:s14+$0x10000];
	_ =	sdelay $0x1  }
.Ltmp2:
0x4a: {  	(pc) =	sbr.rel @p0 .LBB2_6-.Ltmp2, $3  }
0x4b: {  	_ =	sdelay $0x1  }
0x4c: {  	s16 =	sshra.s32 s15, $0x2;
	v3 =	vadd.s32 v3, v2  }
0x4d: {  	s15 =	sadd.s32 $0x40, s15;
	v2 =	vld [tilespmem:s16+$0x11000];
	[tilespmem:s14+$0x10000] =	vst v3;
	s14 =	smov.u32 s16  }
0x4e: {  	v3 =	vld [tilespmem:s14+$0x10000];
	_ =	sdelay $0x3  }
0x4f: {  	s13 =	sadd.s32 $0x1, s13  }
0x50: {  	p0 =	sne.s32 s13, s6;
	v2 =	vadd.s32 v3, v2  }
.Ltmp3:
0x51: {  	[tilespmem:s14+$0x10000] =	vst v2;
	(pc) =	sbr.rel @p0 .LBB2_1-.Ltmp3, $4  }
0x52: {  	[hbm4b:s5+s11] =	stream.strided.scatter [tilespmem:s9], [sflag:$0x1], $0x1000, s12, s11, $0x38;
	[tilespmem:$0x12080] =	vst v63  }
0x53: {  	_ =	swait.ge [sflag:s7], $0x1000  }
0x54: {  	[sflag:s7] =	ssyncset.done $0x0  }
0x55: {  	[sflag:s7] =	ssyncadd.s32 $0xFFFFF000  }
0x56: {  	_ =	sfence.sel $0x180000  }
0x57: {  	[bflag:$0x0] =	sbarrier.arrive $0xFFFF  }
0x58: {  	p0 =	sne.s32 s1, $0x0;
	_ =	strace $0x90000047  }
0x59: {  	s0 =	sadd.s32 @!p0 $0x100000, s0;
	[bflag:$0x2] =	sbarrier.arrive $0xFFFF  }
0x5a: {  	[sflag:s0] =	ssyncadd.tile.s32 @!p0 $0x1;
	_ =	shalt  }
.Lfunc_end2:
_tile_overlayer_lowered:
.L_overlay_start_2:
0x5b: {  	(tag) =	ssettag $0x2  }
0x5c: {  	s0 =	rddreg [dreg:$0x0];
	s2 =	stileid.u32  }
0x5d: {  	s1 =	rddreg [dreg:$0x1];
	p0 =	sne.s32 s2, $0x0  }
0x5e: {  	s3 =	rddreg [dreg:$0x2];
	[bflag:$0x3] =	sbarrier.arrive $0xFFFF;
	s2 =	simm.s32 @!p0 $0x1C01  }
0x5f: {  	[timem:s3], [sflag:s2] =	dma.local @!p0 [hbm:s0], s1  }
0x60: {  	s0 =	simm.s32 @!p0 $0x1  }
0x61: {  	_ =	swait.ge @!p0 [sflag:s0], s1  }
0x62: {  	s1 =	ssub.s32 @!p0 $0x0, s1;
	[sflag:s0] =	ssyncset.done @!p0 $0x0  }
0x63: {  	[sflag:s0] =	ssyncadd.s32 @!p0 s1  }
0x64: {  	[bflag:$0x3] =	sbarrier.arrive $0xFFFF  }
0x65: {  	_ =	shalt  }

// kernel: branch_1_fun.9.cloned.1.call-start
scs
__scs_entry_jumppad:
0x0: {  	(pc) =	sbr.rel $0x88, $3  }
0x1: {  	(tag) =	ssettag $0x0;
	lr =	simm.s32 $0x1  }
0x2: {  	[smem:$0x3F9F] =	sst lr;
	_ =	strace $0xD0000000  }
0x3: {  	_ = 	snop  }
0x4: {  	_ = 	snop  }
0x5: {  	_ = 	snop  }
0x6: {  	_ = 	snop  }
0x7: {  	_ = 	snop  }
__scs_overlays_trampoline_lowered:
0x8: {  	[smem:$0x3FAE] =	sst s0  }
0x9: {  	[smem:$0x3FAF] =	sst s1  }
0xa: {  	[smem:$0x3FB0] =	sst s2  }
0xb: {  	[smem:$0x3FB1] =	sst s3  }
0xc: {  	[smem:$0x3FB2] =	sst s4  }
0xd: {  	[smem:$0x3FB3] =	sst s5  }
0xe: {  	[smem:$0x3FB4] =	sst s6  }
0xf: {  	[smem:$0x3FB5] =	sst s7  }
0x10: {  	[smem:$0x3FB6] =	sst s8  }
0x11: {  	[smem:$0x3FB7] =	sst s9;
	s0 =	simm.s32 @!p0 $0x0  }
0x12: {  	s1 =	sld [smem:$0x3F9D];
	s0 =	simm.s32 @p0 $0x1  }
0x13: {  	[smem:$0x3FB8] =	sst s0;
	s0 =	simm.s32 @!p1 $0x0  }
0x14: {  	s2 =	sld [smem:$0x3F9C];
	s0 =	simm.s32 @p1 $0x1  }
0x15: {  	[smem:$0x3FB9] =	sst s0;
	s0 =	simm.s32 @!p2 $0x0  }
0x16: {  	s3 =	sld [smem:$0x3FDB];
	s0 =	simm.s32 @p2 $0x1  }
0x17: {  	s4 =	simm.s32 $0x1BF5;
	[smem:$0x3FBB] =	sst s0  }
0x18: {  	s0 =	sld [smem:$0x3F9E];
	_ =	swait.ge [sflag:s4], $0x0  }
0x19: {  	s7 =	sld [smem:$0x3F9F]  }
0x1a: {  	s8 =	sadd.s32 $0xFFFFE003, lr  }
0x1b: {  	s9 =	sadd.s32 $0xFFFFFEF7, lr;
	s5 =	simm.s32 $0xFFFFFFFF;
	p2 =	slt.u32 s8, $0xFFFFF086  }
0x1c: {  	p1 =	slt.u32 s9, $0xF7A;
	s5 =	simm.s32 @!p2 $0x0  }
0x1d: {  	s5 =	simm.s32 @p1 $0x1;
	p0 =	seq.s32 s7, s2  }
0x1e: {  	s7 =	smul.u32 @!p0 $0xF7A, s2;
	p2 =	seq.s32 @!p0 s5, $0x0  }
0x1f: {  	s9 =	smul.u32 $0xF7A, s1;
	s8 =	simm.s32 @!p0 $0x1BF5;
	p2 =	por !p2, p0  }
0x20: {  	[sflag:s8] =	ssyncset.s32 @!p0 $0xFFFFF086;
	s6 =	sadd.s32 @!p0 s3, s7;
	s7 =	simm.s32 @!p0 $0x108  }
0x21: {  	s3 =	sadd.s32 s3, s9;
	s6 =	sadd.s32 @!p0 $0x88, s6;
	s7 =	simm.s32 @p2 $0x1082  }
0x22: {  	[simem:s7], [sflag:s8] =	dma.local @!p0 [hbm:s6], $0xF7A  }
0x23: {  	s9 =	sor.u32 $0xD0000000, s2;
	s6 =	simm.s32 $0x108;
	_ =	swait.ge @!p0 [sflag:s8], $0x0  }
0x24: {  	s3 =	sadd.s32 $0x88, s3;
	s6 =	simm.s32 @!p1 $0x1082;
	[sflag:s4] =	ssyncset.s32 $0xFFFFF086  }
0x25: {  	[simem:s6], [sflag:s4] =	dma.local [hbm:s3], $0xF7A  }
0x26: {  	[smem:$0x3F9F] =	sst s1;
	(tag) =	ssettag s2;
	_ =	strace s9  }
0x27: {  	s1 =	sld [smem:$0x3FAF]  }
0x28: {  	s2 =	sld [smem:$0x3FB0]  }
0x29: {  	s4 =	sld [smem:$0x3FB2]  }
0x2a: {  	p0 =	seq.s32 s5, $0x0;
	s5 =	sld [smem:$0x3FB3]  }
0x2b: {  	s6 =	sld [smem:$0x3FB4]  }
0x2c: {  	s7 =	sld [smem:$0x3FB5]  }
0x2d: {  	s3 =	simm.s32 $0x108;
	s8 =	sld [smem:$0x3FB6]  }
0x2e: {  	s3 =	simm.s32 @!p0 $0x1082;
	s9 =	sld [smem:$0x3FB7]  }
0x2f: {  	lr =	sadd.s32 s0, s3;
	s0 =	sld [smem:$0x3FAE]  }
0x30: {  	s3 =	sld [smem:$0x3FB1]  }
0x31: {  	[smem:$0x3FBA] =	sst s10  }
0x32: {  	s10 =	sld [smem:$0x3FB8];
	_ =	sdelay $0x3  }
0x33: {  	p0 =	seq.s32 s10, $0x1;
	s10 =	sld [smem:$0x3FBA];
	_ =	sdelay $0x3  }
0x34: {  	[smem:$0x3FBA] =	sst s10  }
0x35: {  	s10 =	sld [smem:$0x3FB9];
	_ =	sdelay $0x3  }
0x36: {  	p1 =	seq.s32 s10, $0x1;
	s10 =	sld [smem:$0x3FBA];
	_ =	sdelay $0x3  }
0x37: {  	[smem:$0x3FBA] =	sst s10  }
0x38: {  	s10 =	sld [smem:$0x3FBB]  }
0x39: {  	_ = 	snop;
	(pc) =	sbr.ind lr, $3  }
0x3a: {  	_ = 	snop  }
0x3b: {  	_ = 	snop  }
0x3c: {  	p2 =	seq.s32 s10, $0x1;
	s10 =	sld [smem:$0x3FBA]  }
0x3d: {  	_ =	shalt  }
0x3e: {  	_ =	shalt  }
0x3f: {  	_ =	shalt  }
0x40: {  	_ =	shalt  }
0x41: {  	_ =	shalt  }
0x42: {  	_ =	shalt  }
0x43: {  	_ =	shalt  }
0x44: {  	_ =	shalt  }
0x45: {  	_ =	shalt  }
0x46: {  	_ =	shalt  }
0x47: {  	_ =	shalt  }
0x48: {  	_ =	shalt  }
0x49: {  	_ =	shalt  }
0x4a: {  	_ =	shalt  }
0x4b: {  	_ =	shalt  }
0x4c: {  	_ =	shalt  }
0x4d: {  	_ =	shalt  }
0x4e: {  	_ =	shalt  }
0x4f: {  	_ =	shalt  }
0x50: {  	_ =	shalt  }
0x51: {  	_ =	shalt  }
0x52: {  	_ =	shalt  }
0x53: {  	_ =	shalt  }
0x54: {  	_ =	shalt  }
0x55: {  	_ =	shalt  }
0x56: {  	_ =	shalt  }
0x57: {  	_ =	shalt  }
0x58: {  	_ =	shalt  }
0x59: {  	_ =	shalt  }
0x5a: {  	_ =	shalt  }
0x5b: {  	_ =	shalt  }
0x5c: {  	_ =	shalt  }
0x5d: {  	_ =	shalt  }
0x5e: {  	_ =	shalt  }
0x5f: {  	_ =	shalt  }
0x60: {  	_ =	shalt  }
0x61: {  	_ =	shalt  }
0x62: {  	_ =	shalt  }
0x63: {  	_ =	shalt  }
0x64: {  	_ =	shalt  }
0x65: {  	_ =	shalt  }
0x66: {  	_ =	shalt  }
0x67: {  	_ =	shalt  }
0x68: {  	_ =	shalt  }
0x69: {  	_ =	shalt  }
0x6a: {  	_ =	shalt  }
0x6b: {  	_ =	shalt  }
0x6c: {  	_ =	shalt  }
0x6d: {  	_ =	shalt  }
0x6e: {  	_ =	shalt  }
0x6f: {  	_ =	shalt  }
0x70: {  	_ =	shalt  }
0x71: {  	_ =	shalt  }
0x72: {  	_ =	shalt  }
0x73: {  	_ =	shalt  }
0x74: {  	_ =	shalt  }
0x75: {  	_ =	shalt  }
0x76: {  	_ =	shalt  }
0x77: {  	_ =	shalt  }
0x78: {  	_ =	shalt  }
0x79: {  	_ =	shalt  }
0x7a: {  	_ =	shalt  }
0x7b: {  	_ =	shalt  }
0x7c: {  	_ =	shalt  }
0x7d: {  	_ =	shalt  }
0x7e: {  	_ =	shalt  }
0x7f: {  	_ =	shalt  }
0x80: {  	_ =	shalt  }
0x81: {  	_ =	shalt  }
0x82: {  	_ =	shalt  }
0x83: {  	_ =	shalt  }
0x84: {  	_ =	shalt  }
0x85: {  	_ =	shalt  }
0x86: {  	_ =	shalt  }
0x87: {  	_ =	shalt  }
.Lfunc_end0:
.L_simem_size_0:
called_computation.1_lowered:
.L_overlay_start_0:
0x88: {  	s2 =	sld [smem:$0x3FD9]  }
0x89: {  	s3 =	sld [smem:$0x3FFE];
	_ =	sdelay $0x1  }
0x8a: {  	s1 =	srdreg.scid  }
0x8b: {  	s0 =	sand.u32 $0x1, s1  }
0x8c: {  	s16 =	sshll.u32 s0, $0xA;
	s2 =	sadd.s32 s3, s2  }
0x8d: {  	s2 =	sadd.s32 s2, s16  }
0x8e: {  	[smem:$0x3FC6] =	sst s2  }
0x8f: {  	_ = 	snop  }
0x90: {  	(tm) =	ssettm $0x1  }
0x91: {  	s17 =	sld [smem:$0x3FFB];
	_ =	sdelay $0x3  }
0x92: {  	_ =	strace s17  }
0x93: {  	s2 =	sld [smem:$0x3FFC];
	_ =	sdelay $0x3  }
0x94: {  	_ =	strace s2  }
0x95: {  	s2 =	sld [smem:$0x3FFD];
	_ =	sdelay $0x3  }
0x96: {  	_ =	strace s2  }
0x97: {  	_ =	strace $0x8FFFFFFF  }
0x98: {  	s18 =	sld [smem:$0x3FDB];
	_ =	sdelay $0x1  }
0x99: {  	s19 =	simm.s32 $_scs_section_size  }
0x9a: {  	s4 =	simm.s32 $_size__tile_overlayer_lowered;
	s5 =	simm.s32 $_tile_overlayer_lowered  }
0x9b: {  	s22 =	simm.s32 $0x1BFF;
	s21 =	sshll.u32 s5, $0x1;
	s2 =	sadd.s32 s19, s18  }
0x9c: {  	s6 =	simm.s32 $0x0;
	s20 =	sshll.u32 s4, $0x1;
	s4 =	sadd.s32 s21, s2  }
0x9d: {  	[timem:s6], [sflag:s22] =	dma.local [hbm:s4], s20  }
0x9e: {  	_ =	swait.ge [sflag:s22], s20  }
0x9f: {  	s3 =	ssub.s32 $0x0, s20;
	[sflag:s22] =	ssyncset.done $0x0  }
0xa0: {  	[sflag:s22] =	ssyncadd.s32 s3;
	_ =	sdelay $0x1  }
0xa1: {  	s23 =	simm.s32 $0x1B8B  }
0xa2: {  	_ =	swait.ge [sflag:s23], $0x1  }
0xa3: {  	[sflag:s23] =	ssyncset.done $0x0  }
0xa4: {  	s25 =	simm.s32 $0x1B8E;
	s24 =	sld [smem:$0x3FFE];
	[sflag:s23] =	ssyncadd.s32 $0xFFFFFFFF  }
0xa5: {  	s26 =	simm.s32 $execute0_lowered;
	[smem:$0x3FD2] =	sst s25  }
0xa6: {  	s4 =	sshll.u32 s26, $0x1;
	_ =	strace $0x80000049;
	[dreg:$0x1] =	wrdreg $0xFFFFFFFF  }
0xa7: {  	s28 =	simm.s32 $_size_execute0_lowered;
	s2 =	sadd.s32 s2, s4;
	[dreg:$0x0] =	wrdreg $0x0  }
0xa8: {  	s4 =	sshll.u32 s28, $0x1;
	[dreg:$0x2] =	wrdreg s2  }
0xa9: {  	[dreg:$0x3] =	wrdreg s4  }
0xaa: {  	[dreg:$0x4] =	wrdreg $0xC0  }
0xab: {  	_ =	task [dreg:s6], $0x5FFFF  }
0xac: {  	[dreg:$0x1] =	wrdreg $0xFFFFFFFF  }
0xad: {  	[dreg:$0x0] =	wrdreg $0x60  }
0xae: {  	[dreg:$0x2] =	wrdreg s24  }
0xaf: {  	[dreg:$0x3] =	wrdreg $0x9  }
0xb0: {  	_ =	task.clear_ibuf [dreg:s6], $0x4FFFF;
	_ =	strace $0x90000049  }
0xb1: {  	s29 =	simm.s32 $0x9;
	_ =	strace $0x8000004B  }
0xb2: {  	_ =	swait.ge [sflag:s29], $0x1  }
0xb3: {  	[sflag:s29] =	ssyncadd.s32 $0xFFFFFFFF  }
0xb4: {  	_ =	strace $0x9000004B  }
0xb5: {  	_ =	sfence  }
0xb6: {  	s30 =	sld [smem:$0x0];
	_ =	sdelay $0x2  }
0xb7: {  	s31 =	sshll.u32 s1, $0xD;
	s1 =	sshrl.u32 s1, $0x2  }
0xb8: {  	s3 =	sand.u32 $0x4000, s31;
	s1 =	sadd.s32 s1, s30  }
0xb9: {  	s0 =	sor.u32 s3, s0;
	s1 =	sshll.u32 s1, $0x11  }
0xba: {  	s0 =	sor.u32 s1, s0  }
0xbb: {  	s0 =	sadd.s32 $0x8F2B, s0  }
0xbc: {  	[sflag:s0] =	ssyncadd.remote.s32 $0x1  }
0xbd: {  	_ =	sfence.sel $0xFFFF  }
0xbe: {  	[dreg:$0x0] =	wrdreg $0xFFFFFFFF;
	(pc) =	sbr.abs _section_cstart, $3  }
0xbf: {  	[dreg:$0x1] =	wrdreg $0xFFFFFFFF  }
0xc0: {  	_ =	task.clear_ibuf [dreg:s6], $0x2FFFF;
	_ =	strace $0x9FFFFFFF  }
0xc1: {  	(tm) =	ssettm $0x7FFFFFFF  }
tec
execute0_lowered:
.L_overlay_start_1:
0x0: {  	(tag) =	ssettag $0x1  }
0x1: {  	s4 =	rddreg [dreg:$0x0]  }
0x2: {  	s0 =	rddreg [dreg:$0x1]  }
0x3: {  	s3 =	srdreg.scid;
	s1 =	stileid.u32;
	s2 =	simm.s32 $0x0  }
0x4: {  	s10 =	simm.s32 $0x11000;
	s11 =	simm.s32 $0x80;
	s12 =	simm.s32 $0x400  }
0x5: {  	s13 =	simm.s32 $0x0;
	s5 =	sand.u32 $0x1, s3;
	s29 =	sshll.u32 s1, $0x1  }
0x6: {  	[smem:$0x7FF] =	sst s2;
	s8 =	sshll.u32 s1, $0xA;
	s6 =	sor.u32 s5, s29  }
0x7: {  	_ =	strace $0x8000004A;
	s8 =	sand.u32 $0x3000, s8;
	s5 =	ssub.s32 $0x2, s5  }
0x8: {  	s3 =	sshll.u32 s6, $0xD;
	s6 =	sshll.u32 s6, $0x4;
	s8 =	sadd.s32 s8, s4  }
0x9: {  	s30 =	sshrl.u32 s5, $0x1;
	s7 =	sadd.s32 s3, s4;
	s3 =	sadd.s32 $0x42A00, s4  }
0xa: {  	s6 =	sand.u32 $0x70, s6;
	s9 =	ssub.s32 s5, s30;
	s4 =	sadd.s32 $0x2800, s7  }
0xb: {  	s31 =	sadd.s32 s6, s8;
	s6 =	smax.u32 s9, $0x1;
	s7 =	simm.s32 $0x1  }
0xc: {  	v0 =	vimm.s32 $0x0;
	v1 =	vimm.s32 $0x1;
	s8 =	simm.s32 $0x12000;
	s9 =	simm.s32 $0x10000;
	s5 =	sadd.s32 $0x42E00, s31  }
.LBB2_1:
0xd: {  	[tilespmem:s2], [sflag:$0x1] =	stream.linear.gather [hbm4b:s4+s2], $0x10000, $0x38;
	[tilespmem:$0x12080] =	vst v63  }
0xe: {  	_ =	swait.ge [sflag:s7], $0x10000  }
0xf: {  	[sflag:s7] =	ssyncset.done $0x0  }
0x10: {  	[sflag:s7] =	ssyncadd.s32 $0xFFFF0000  }
0x11: {  	[tilespmem:s8], [sflag:$0x1] =	stream.linear.gather [hbm4b:s3+s2], $0x80, $0x38;
	[tilespmem:$0x12080] =	vst v63  }
0x12: {  	_ =	swait.ge [sflag:s7], $0x80  }
0x13: {  	[sflag:s7] =	ssyncset.done $0x0  }
0x14: {  	[sflag:s7] =	ssyncadd.s32 $0xFFFFFF80  }
0x15: {  	s14 =	simm.s32 $0x40;
	s15 =	simm.s32 $0x0;
	v2 =	vld [tilespmem:$0x12000]  }
.LBB2_2:
0x16: {  	p0 =	sne.s32 s14, $0x3FC0;
	[tilespmem:s15+$0x10000] =	vst v0;
	s16 =	smov.u32 s14;
	s14 =	sadd.s32 $0x40, s14  }
.Ltmp0:
0x17: {  	[tilespmem:s15+$0x11000] =	vst v0;
	(pc) =	sbr.rel @p0 .LBB2_2-.Ltmp0, $2  }
0x18: {  	_ =	sdelay $0x2  }
0x19: {  	s15 =	sshra.s32 s16, $0x2  }
0x1a: {  	[tilespmem:s15+$0x10000] =	vst v0  }
0x1b: {  	s14 =	simm.s32 $0x0;
	[tilespmem:s15+$0x11000] =	vst v0  }
.LBB2_4:
0x1c: {  	s15 =	sshra.s32 s14, $0x2  }
0x1d: {  	v3 =	vld [tilespmem:s15+$0x0];
	_ =	sdelay $0x4  }
0x1e: {  	v4 =	vshrl.u32 v3, $0x6  }
0x1f: {  	vm0 =	veq.s32 v4, v2  }
0x20: {  	v3 =	vand.u32 $0x3F, v3;
	_ =	sdelay $0x4  }
0x21: {  	[tilespmem:v3+s9+$0x0] =	vst.idx.add.s32.msk vm0, v1  }
0x22: {  	v3 =	vld [tilespmem:s15+$0x10];
	_ =	sdelay $0x4  }
0x23: {  	v57 =	vshrl.u32 v3, $0x6  }
0x24: {  	vm9 =	veq.s32 v57, v2  }
0x25: {  	v3 =	vand.u32 $0x3F, v3;
	_ =	sdelay $0x4  }
0x26: {  	[tilespmem:v3+s10+$0x0] =	vst.idx.add.s32.msk vm9, v1  }
0x27: {  	v3 =	vld [tilespmem:s15+$0x20];
	_ =	sdelay $0x4  }
0x28: {  	v58 =	vshrl.u32 v3, $0x6  }
0x29: {  	vm10 =	veq.s32 v58, v2  }
0x2a: {  	v3 =	vand.u32 $0x3F, v3;
	_ =	sdelay $0x4  }
0x2b: {  	[tilespmem:v3+s9+$0x0] =	vst.idx.add.s32.msk vm10, v1  }
0x2c: {  	v3 =	vld [tilespmem:s15+$0x30];
	_ =	sdelay $0x4  }
0x2d: {  	v59 =	vshrl.u32 v3, $0x6  }
0x2e: {  	vm11 =	veq.s32 v59, v2  }
0x2f: {  	v3 =	vand.u32 $0x3F, v3;
	_ =	sdelay $0x4  }
0x30: {  	[tilespmem:v3+s10+$0x0] =	vst.idx.add.s32.msk vm11, v1  }
0x31: {  	v3 =	vld [tilespmem:s15+$0x40];
	_ =	sdelay $0x4  }
0x32: {  	v60 =	vshrl.u32 v3, $0x6  }
0x33: {  	vm12 =	veq.s32 v60, v2  }
0x34: {  	v3 =	vand.u32 $0x3F, v3;
	_ =	sdelay $0x4  }
0x35: {  	[tilespmem:v3+s9+$0x0] =	vst.idx.add.s32.msk vm12, v1  }
0x36: {  	v3 =	vld [tilespmem:s15+$0x50];
	_ =	sdelay $0x4  }
0x37: {  	v61 =	vshrl.u32 v3, $0x6  }
0x38: {  	vm13 =	veq.s32 v61, v2  }
0x39: {  	v3 =	vand.u32 $0x3F, v3;
	_ =	sdelay $0x4  }
0x3a: {  	[tilespmem:v3+s10+$0x0] =	vst.idx.add.s32.msk vm13, v1  }
0x3b: {  	v3 =	vld [tilespmem:s15+$0x60];
	_ =	sdelay $0x4  }
0x3c: {  	v62 =	vshrl.u32 v3, $0x6  }
0x3d: {  	vm14 =	veq.s32 v62, v2  }
0x3e: {  	v3 =	vand.u32 $0x3F, v3;
	_ =	sdelay $0x4  }
0x3f: {  	[tilespmem:v3+s9+$0x0] =	vst.idx.add.s32.msk vm14, v1  }
0x40: {  	v3 =	vld [tilespmem:s15+$0x70];
	_ =	sdelay $0x4  }
0x41: {  	v63 =	vshrl.u32 v3, $0x6  }
0x42: {  	vm15 =	veq.s32 v63, v2  }
0x43: {  	p0 =	sne.s32 s14, $0x3FE00;
	v3 =	vand.u32 $0x3F, v3  }
.Ltmp1:
0x44: {  	_ = 	snop;
	(pc) =	sbr.rel @p0 .LBB2_4-.Ltmp1, $2  }
0x45: {  	_ =	sdelay $0x2  }
0x46: {  	s14 =	sadd.s32 $0x200, s14;
	[tilespmem:v3+s10+$0x0] =	vst.idx.add.s32.msk vm15, v1  }
0x47: {  	s14 =	simm.s32 $0x0  }
0x48: {  	s15 =	simm.s32 $0x40;
	v2 =	vld [tilespmem:s14+$0x11000]  }
.LBB2_6:
0x49: {  	p0 =	sne.s32 s15, $0x3FC0;
	v3 =	vld [tilespmem:s14+$0x10000];
	_ =	sdelay $0x1  }
.Ltmp2:
0x4a: {  	(pc) =	sbr.rel @p0 .LBB2_6-.Ltmp2, $3  }
0x4b: {  	_ =	sdelay $0x1  }
0x4c: {  	s16 =	sshra.s32 s15, $0x2;
	v3 =	vadd.s32 v3, v2  }
0x4d: {  	s15 =	sadd.s32 $0x40, s15;
	v2 =	vld [tilespmem:s16+$0x11000];
	[tilespmem:s14+$0x10000] =	vst v3;
	s14 =	smov.u32 s16  }
0x4e: {  	v3 =	vld [tilespmem:s14+$0x10000];
	_ =	sdelay $0x3  }
0x4f: {  	s13 =	sadd.s32 $0x1, s13  }
0x50: {  	p0 =	sne.s32 s13, s6;
	v2 =	vadd.s32 v3, v2  }
.Ltmp3:
0x51: {  	[tilespmem:s14+$0x10000] =	vst v2;
	(pc) =	sbr.rel @p0 .LBB2_1-.Ltmp3, $4  }
0x52: {  	[hbm4b:s5+s11] =	stream.strided.scatter [tilespmem:s9], [sflag:$0x1], $0x1000, s12, s11, $0x38;
	[tilespmem:$0x12080] =	vst v63  }
0x53: {  	_ =	swait.ge [sflag:s7], $0x1000  }
0x54: {  	[sflag:s7] =	ssyncset.done $0x0  }
0x55: {  	[sflag:s7] =	ssyncadd.s32 $0xFFFFF000  }
0x56: {  	_ =	sfence.sel $0x180000  }
0x57: {  	[bflag:$0x0] =	sbarrier.arrive $0xFFFF  }
0x58: {  	p0 =	sne.s32 s1, $0x0;
	_ =	strace $0x9000004A  }
0x59: {  	s0 =	sadd.s32 @!p0 $0x100000, s0;
	[bflag:$0x2] =	sbarrier.arrive $0xFFFF  }
0x5a: {  	[sflag:s0] =	ssyncadd.tile.s32 @!p0 $0x1;
	_ =	shalt  }
.Lfunc_end2:
_tile_overlayer_lowered:
.L_overlay_start_2:
0x5b: {  	(tag) =	ssettag $0x2  }
0x5c: {  	s0 =	rddreg [dreg:$0x0];
	s2 =	stileid.u32  }
0x5d: {  	s1 =	rddreg [dreg:$0x1];
	p0 =	sne.s32 s2, $0x0  }
0x5e: {  	s3 =	rddreg [dreg:$0x2];
	[bflag:$0x3] =	sbarrier.arrive $0xFFFF;
	s2 =	simm.s32 @!p0 $0x1C01  }
0x5f: {  	[timem:s3], [sflag:s2] =	dma.local @!p0 [hbm:s0], s1  }
0x60: {  	s0 =	simm.s32 @!p0 $0x1  }
0x61: {  	_ =	swait.ge @!p0 [sflag:s0], s1  }
0x62: {  	s1 =	ssub.s32 @!p0 $0x0, s1;
	[sflag:s0] =	ssyncset.done @!p0 $0x0  }
0x63: {  	[sflag:s0] =	ssyncadd.s32 @!p0 s1  }
0x64: {  	[bflag:$0x3] =	sbarrier.arrive $0xFFFF  }
0x65: {  	_ =	shalt  }

// kernel: kernel.5.cloned.1.call-start
scs
__scs_entry_jumppad:
0x0: {  	(pc) =	sbr.rel $0x88, $3  }
0x1: {  	(tag) =	ssettag $0x0;
	lr =	simm.s32 $0x1  }
0x2: {  	[smem:$0x3F9F] =	sst lr;
	_ =	strace $0xD0000000  }
0x3: {  	_ = 	snop  }
0x4: {  	_ = 	snop  }
0x5: {  	_ = 	snop  }
0x6: {  	_ = 	snop  }
0x7: {  	_ = 	snop  }
__scs_overlays_trampoline_lowered:
0x8: {  	[smem:$0x3FAE] =	sst s0  }
0x9: {  	[smem:$0x3FAF] =	sst s1  }
0xa: {  	[smem:$0x3FB0] =	sst s2  }
0xb: {  	[smem:$0x3FB1] =	sst s3  }
0xc: {  	[smem:$0x3FB2] =	sst s4  }
0xd: {  	[smem:$0x3FB3] =	sst s5  }
0xe: {  	[smem:$0x3FB4] =	sst s6  }
0xf: {  	[smem:$0x3FB5] =	sst s7  }
0x10: {  	[smem:$0x3FB6] =	sst s8  }
0x11: {  	[smem:$0x3FB7] =	sst s9;
	s0 =	simm.s32 @!p0 $0x0  }
0x12: {  	s1 =	sld [smem:$0x3F9D];
	s0 =	simm.s32 @p0 $0x1  }
0x13: {  	[smem:$0x3FB8] =	sst s0;
	s0 =	simm.s32 @!p1 $0x0  }
0x14: {  	s2 =	sld [smem:$0x3F9C];
	s0 =	simm.s32 @p1 $0x1  }
0x15: {  	[smem:$0x3FB9] =	sst s0;
	s0 =	simm.s32 @!p2 $0x0  }
0x16: {  	s3 =	sld [smem:$0x3FDB];
	s0 =	simm.s32 @p2 $0x1  }
0x17: {  	s4 =	simm.s32 $0x1BF5;
	[smem:$0x3FBB] =	sst s0  }
0x18: {  	s0 =	sld [smem:$0x3F9E];
	_ =	swait.ge [sflag:s4], $0x0  }
0x19: {  	s7 =	sld [smem:$0x3F9F]  }
0x1a: {  	s8 =	sadd.s32 $0xFFFFE003, lr  }
0x1b: {  	s9 =	sadd.s32 $0xFFFFFEF7, lr;
	s5 =	simm.s32 $0xFFFFFFFF;
	p2 =	slt.u32 s8, $0xFFFFF086  }
0x1c: {  	p1 =	slt.u32 s9, $0xF7A;
	s5 =	simm.s32 @!p2 $0x0  }
0x1d: {  	s5 =	simm.s32 @p1 $0x1;
	p0 =	seq.s32 s7, s2  }
0x1e: {  	s7 =	smul.u32 @!p0 $0xF7A, s2;
	p2 =	seq.s32 @!p0 s5, $0x0  }
0x1f: {  	s9 =	smul.u32 $0xF7A, s1;
	s8 =	simm.s32 @!p0 $0x1BF5;
	p2 =	por !p2, p0  }
0x20: {  	[sflag:s8] =	ssyncset.s32 @!p0 $0xFFFFF086;
	s6 =	sadd.s32 @!p0 s3, s7;
	s7 =	simm.s32 @!p0 $0x108  }
0x21: {  	s3 =	sadd.s32 s3, s9;
	s6 =	sadd.s32 @!p0 $0x88, s6;
	s7 =	simm.s32 @p2 $0x1082  }
0x22: {  	[simem:s7], [sflag:s8] =	dma.local @!p0 [hbm:s6], $0xF7A  }
0x23: {  	s9 =	sor.u32 $0xD0000000, s2;
	s6 =	simm.s32 $0x108;
	_ =	swait.ge @!p0 [sflag:s8], $0x0  }
0x24: {  	s3 =	sadd.s32 $0x88, s3;
	s6 =	simm.s32 @!p1 $0x1082;
	[sflag:s4] =	ssyncset.s32 $0xFFFFF086  }
0x25: {  	[simem:s6], [sflag:s4] =	dma.local [hbm:s3], $0xF7A  }
0x26: {  	[smem:$0x3F9F] =	sst s1;
	(tag) =	ssettag s2;
	_ =	strace s9  }
0x27: {  	s1 =	sld [smem:$0x3FAF]  }
0x28: {  	s2 =	sld [smem:$0x3FB0]  }
0x29: {  	s4 =	sld [smem:$0x3FB2]  }
0x2a: {  	p0 =	seq.s32 s5, $0x0;
	s5 =	sld [smem:$0x3FB3]  }
0x2b: {  	s6 =	sld [smem:$0x3FB4]  }
0x2c: {  	s7 =	sld [smem:$0x3FB5]  }
0x2d: {  	s3 =	simm.s32 $0x108;
	s8 =	sld [smem:$0x3FB6]  }
0x2e: {  	s3 =	simm.s32 @!p0 $0x1082;
	s9 =	sld [smem:$0x3FB7]  }
0x2f: {  	lr =	sadd.s32 s0, s3;
	s0 =	sld [smem:$0x3FAE]  }
0x30: {  	s3 =	sld [smem:$0x3FB1]  }
0x31: {  	[smem:$0x3FBA] =	sst s10  }
0x32: {  	s10 =	sld [smem:$0x3FB8];
	_ =	sdelay $0x3  }
0x33: {  	p0 =	seq.s32 s10, $0x1;
	s10 =	sld [smem:$0x3FBA];
	_ =	sdelay $0x3  }
0x34: {  	[smem:$0x3FBA] =	sst s10  }
0x35: {  	s10 =	sld [smem:$0x3FB9];
	_ =	sdelay $0x3  }
0x36: {  	p1 =	seq.s32 s10, $0x1;
	s10 =	sld [smem:$0x3FBA];
	_ =	sdelay $0x3  }
0x37: {  	[smem:$0x3FBA] =	sst s10  }
0x38: {  	s10 =	sld [smem:$0x3FBB]  }
0x39: {  	_ = 	snop;
	(pc) =	sbr.ind lr, $3  }
0x3a: {  	_ = 	snop  }
0x3b: {  	_ = 	snop  }
0x3c: {  	p2 =	seq.s32 s10, $0x1;
	s10 =	sld [smem:$0x3FBA]  }
0x3d: {  	_ =	shalt  }
0x3e: {  	_ =	shalt  }
0x3f: {  	_ =	shalt  }
0x40: {  	_ =	shalt  }
0x41: {  	_ =	shalt  }
0x42: {  	_ =	shalt  }
0x43: {  	_ =	shalt  }
0x44: {  	_ =	shalt  }
0x45: {  	_ =	shalt  }
0x46: {  	_ =	shalt  }
0x47: {  	_ =	shalt  }
0x48: {  	_ =	shalt  }
0x49: {  	_ =	shalt  }
0x4a: {  	_ =	shalt  }
0x4b: {  	_ =	shalt  }
0x4c: {  	_ =	shalt  }
0x4d: {  	_ =	shalt  }
0x4e: {  	_ =	shalt  }
0x4f: {  	_ =	shalt  }
0x50: {  	_ =	shalt  }
0x51: {  	_ =	shalt  }
0x52: {  	_ =	shalt  }
0x53: {  	_ =	shalt  }
0x54: {  	_ =	shalt  }
0x55: {  	_ =	shalt  }
0x56: {  	_ =	shalt  }
0x57: {  	_ =	shalt  }
0x58: {  	_ =	shalt  }
0x59: {  	_ =	shalt  }
0x5a: {  	_ =	shalt  }
0x5b: {  	_ =	shalt  }
0x5c: {  	_ =	shalt  }
0x5d: {  	_ =	shalt  }
0x5e: {  	_ =	shalt  }
0x5f: {  	_ =	shalt  }
0x60: {  	_ =	shalt  }
0x61: {  	_ =	shalt  }
0x62: {  	_ =	shalt  }
0x63: {  	_ =	shalt  }
0x64: {  	_ =	shalt  }
0x65: {  	_ =	shalt  }
0x66: {  	_ =	shalt  }
0x67: {  	_ =	shalt  }
0x68: {  	_ =	shalt  }
0x69: {  	_ =	shalt  }
0x6a: {  	_ =	shalt  }
0x6b: {  	_ =	shalt  }
0x6c: {  	_ =	shalt  }
0x6d: {  	_ =	shalt  }
0x6e: {  	_ =	shalt  }
0x6f: {  	_ =	shalt  }
0x70: {  	_ =	shalt  }
0x71: {  	_ =	shalt  }
0x72: {  	_ =	shalt  }
0x73: {  	_ =	shalt  }
0x74: {  	_ =	shalt  }
0x75: {  	_ =	shalt  }
0x76: {  	_ =	shalt  }
0x77: {  	_ =	shalt  }
0x78: {  	_ =	shalt  }
0x79: {  	_ =	shalt  }
0x7a: {  	_ =	shalt  }
0x7b: {  	_ =	shalt  }
0x7c: {  	_ =	shalt  }
0x7d: {  	_ =	shalt  }
0x7e: {  	_ =	shalt  }
0x7f: {  	_ =	shalt  }
0x80: {  	_ =	shalt  }
0x81: {  	_ =	shalt  }
0x82: {  	_ =	shalt  }
0x83: {  	_ =	shalt  }
0x84: {  	_ =	shalt  }
0x85: {  	_ =	shalt  }
0x86: {  	_ =	shalt  }
0x87: {  	_ =	shalt  }
.Lfunc_end0:
.L_simem_size_0:
called_computation.2_lowered:
.L_overlay_start_0:
0x88: {  	s2 =	sld [smem:$0x3FD9]  }
0x89: {  	s3 =	sld [smem:$0x3FFE];
	_ =	sdelay $0x1  }
0x8a: {  	s1 =	srdreg.scid  }
0x8b: {  	s0 =	sand.u32 $0x1, s1  }
0x8c: {  	s16 =	sshll.u32 s0, $0xA;
	s2 =	sadd.s32 s3, s2  }
0x8d: {  	s2 =	sadd.s32 s2, s16  }
0x8e: {  	[smem:$0x3FC6] =	sst s2  }
0x8f: {  	_ = 	snop  }
0x90: {  	(tm) =	ssettm $0x1  }
0x91: {  	s17 =	sld [smem:$0x3FFB];
	_ =	sdelay $0x3  }
0x92: {  	_ =	strace s17  }
0x93: {  	s2 =	sld [smem:$0x3FFC];
	_ =	sdelay $0x3  }
0x94: {  	_ =	strace s2  }
0x95: {  	s2 =	sld [smem:$0x3FFD];
	_ =	sdelay $0x3  }
0x96: {  	_ =	strace s2  }
0x97: {  	_ =	strace $0x8FFFFFFF  }
0x98: {  	s18 =	sld [smem:$0x3FDB];
	_ =	sdelay $0x1  }
0x99: {  	s19 =	simm.s32 $_scs_section_size  }
0x9a: {  	s4 =	simm.s32 $_size__tile_overlayer_lowered;
	s5 =	simm.s32 $_tile_overlayer_lowered  }
0x9b: {  	s22 =	simm.s32 $0x1BFF;
	s21 =	sshll.u32 s5, $0x1;
	s2 =	sadd.s32 s19, s18  }
0x9c: {  	s6 =	simm.s32 $0x0;
	s20 =	sshll.u32 s4, $0x1;
	s4 =	sadd.s32 s21, s2  }
0x9d: {  	[timem:s6], [sflag:s22] =	dma.local [hbm:s4], s20  }
0x9e: {  	_ =	swait.ge [sflag:s22], s20  }
0x9f: {  	s3 =	ssub.s32 $0x0, s20;
	[sflag:s22] =	ssyncset.done $0x0  }
0xa0: {  	[sflag:s22] =	ssyncadd.s32 s3;
	_ =	sdelay $0x1  }
0xa1: {  	s23 =	simm.s32 $0x1B8B  }
0xa2: {  	_ =	swait.ge [sflag:s23], $0x1  }
0xa3: {  	[sflag:s23] =	ssyncset.done $0x0  }
0xa4: {  	s25 =	simm.s32 $0x1B8E;
	s24 =	sld [smem:$0x3FFE];
	[sflag:s23] =	ssyncadd.s32 $0xFFFFFFFF  }
0xa5: {  	s26 =	simm.s32 $execute0_lowered;
	[smem:$0x3FD2] =	sst s25  }
0xa6: {  	s4 =	sshll.u32 s26, $0x1;
	_ =	strace $0x8000004C;
	[dreg:$0x1] =	wrdreg $0xFFFFFFFF  }
0xa7: {  	s28 =	simm.s32 $_size_execute0_lowered;
	s2 =	sadd.s32 s2, s4;
	[dreg:$0x0] =	wrdreg $0x0  }
0xa8: {  	s4 =	sshll.u32 s28, $0x1;
	[dreg:$0x2] =	wrdreg s2  }
0xa9: {  	[dreg:$0x3] =	wrdreg s4  }
0xaa: {  	[dreg:$0x4] =	wrdreg $0xC0  }
0xab: {  	_ =	task [dreg:s6], $0x5FFFF  }
0xac: {  	[dreg:$0x1] =	wrdreg $0xFFFFFFFF  }
0xad: {  	[dreg:$0x0] =	wrdreg $0x60  }
0xae: {  	[dreg:$0x2] =	wrdreg s24  }
0xaf: {  	[dreg:$0x3] =	wrdreg $0x9  }
0xb0: {  	_ =	task.clear_ibuf [dreg:s6], $0x4FFFF;
	_ =	strace $0x9000004C  }
0xb1: {  	s29 =	simm.s32 $0x9;
	_ =	strace $0x8000004E  }
0xb2: {  	_ =	swait.ge [sflag:s29], $0x1  }
0xb3: {  	[sflag:s29] =	ssyncadd.s32 $0xFFFFFFFF  }
0xb4: {  	_ =	strace $0x9000004E  }
0xb5: {  	_ =	sfence  }
0xb6: {  	s30 =	sld [smem:$0x0];
	_ =	sdelay $0x2  }
0xb7: {  	s31 =	sshll.u32 s1, $0xD;
	s1 =	sshrl.u32 s1, $0x2  }
0xb8: {  	s3 =	sand.u32 $0x4000, s31;
	s1 =	sadd.s32 s1, s30  }
0xb9: {  	s0 =	sor.u32 s3, s0;
	s1 =	sshll.u32 s1, $0x11  }
0xba: {  	s0 =	sor.u32 s1, s0  }
0xbb: {  	s0 =	sadd.s32 $0x8F2B, s0  }
0xbc: {  	[sflag:s0] =	ssyncadd.remote.s32 $0x1  }
0xbd: {  	_ =	sfence.sel $0xFFFF  }
0xbe: {  	[dreg:$0x0] =	wrdreg $0xFFFFFFFF;
	(pc) =	sbr.abs _section_cstart, $3  }
0xbf: {  	[dreg:$0x1] =	wrdreg $0xFFFFFFFF  }
0xc0: {  	_ =	task.clear_ibuf [dreg:s6], $0x2FFFF;
	_ =	strace $0x9FFFFFFF  }
0xc1: {  	(tm) =	ssettm $0x7FFFFFFF  }
tec
execute0_lowered:
.L_overlay_start_1:
0x0: {  	(tag) =	ssettag $0x1  }
0x1: {  	s3 =	rddreg [dreg:$0x0]  }
0x2: {  	s0 =	rddreg [dreg:$0x1];
	s4 =	srdreg.scid  }
0x3: {  	s1 =	stileid.u32;
	s2 =	simm.s32 $0x0;
	s9 =	simm.s32 $0x80  }
0x4: {  	s10 =	simm.s32 $0x400;
	s11 =	simm.s32 $0x0;
	s4 =	sand.u32 $0x1, s4  }
0x5: {  	s5 =	sshll.u32 s1, $0x1;
	[smem:$0x7FF] =	sst s2;
	s7 =	sshll.u32 s1, $0xA  }
0x6: {  	s5 =	sor.u32 s4, s5;
	_ =	strace $0x8000004D;
	s7 =	sand.u32 $0x3000, s7  }
0x7: {  	s4 =	ssub.s32 $0x2, s4;
	s6 =	sshll.u32 s5, $0xD;
	s5 =	sshll.u32 s5, $0x4  }
0x8: {  	s7 =	sadd.s32 s7, s3;
	s8 =	sshrl.u32 s4, $0x1;
	s5 =	sand.u32 $0x70, s5  }
0x9: {  	s3 =	sadd.s32 s6, s3;
	s30 =	ssub.s32 s4, s8;
	s6 =	simm.s32 $0x1  }
0xa: {  	s8 =	simm.s32 $0x11000;
	s31 =	sadd.s32 s5, s7;
	s3 =	sadd.s32 $0x2800, s3  }
0xb: {  	v0 =	vimm.s32 $0x0;
	v1 =	vimm.s32 $0x1;
	s5 =	smax.u32 s30, $0x1;
	s7 =	simm.s32 $0x10000;
	s4 =	sadd.s32 $0x42800, s31  }
.LBB2_1:
0xc: {  	[tilespmem:s2], [sflag:$0x1] =	stream.linear.gather [hbm4b:s3+s2], $0x10000, $0x38;
	[tilespmem:$0x12000] =	vst v63  }
0xd: {  	_ =	swait.ge [sflag:s6], $0x10000  }
0xe: {  	[sflag:s6] =	ssyncset.done $0x0  }
0xf: {  	s12 =	simm.s32 $0x40;
	s13 =	simm.s32 $0x0;
	[sflag:s6] =	ssyncadd.s32 $0xFFFF0000  }
.LBB2_2:
0x10: {  	p0 =	sne.s32 s12, $0x3FC0;
	[tilespmem:s13+$0x10000] =	vst v0;
	s14 =	smov.u32 s12;
	s12 =	sadd.s32 $0x40, s12  }
.Ltmp0:
0x11: {  	[tilespmem:s13+$0x11000] =	vst v0;
	(pc) =	sbr.rel @p0 .LBB2_2-.Ltmp0, $2  }
0x12: {  	_ =	sdelay $0x2  }
0x13: {  	s13 =	sshra.s32 s14, $0x2  }
0x14: {  	[tilespmem:s13+$0x10000] =	vst v0  }
0x15: {  	s12 =	simm.s32 $0x0;
	[tilespmem:s13+$0x11000] =	vst v0  }
.LBB2_4:
0x16: {  	s13 =	sshra.s32 s12, $0x2  }
0x17: {  	v2 =	vld [tilespmem:s13+$0x0];
	_ =	sdelay $0x4  }
0x18: {  	v2 =	vshrl.u32 v2, $0x12  }
0x19: {  	v2 =	vand.u32 $0xFFF, v2;
	_ =	sdelay $0x4  }
0x1a: {  	[tilespmem:v2+s7+$0x0] =	vst.idx.add.s32.msk $0xffff, v1  }
0x1b: {  	v2 =	vld [tilespmem:s13+$0x10];
	_ =	sdelay $0x4  }
0x1c: {  	v2 =	vshrl.u32 v2, $0x12  }
0x1d: {  	v2 =	vand.u32 $0xFFF, v2;
	_ =	sdelay $0x4  }
0x1e: {  	[tilespmem:v2+s8+$0x0] =	vst.idx.add.s32.msk $0xffff, v1  }
0x1f: {  	v2 =	vld [tilespmem:s13+$0x20];
	_ =	sdelay $0x4  }
0x20: {  	v2 =	vshrl.u32 v2, $0x12  }
0x21: {  	v2 =	vand.u32 $0xFFF, v2;
	_ =	sdelay $0x4  }
0x22: {  	[tilespmem:v2+s7+$0x0] =	vst.idx.add.s32.msk $0xffff, v1  }
0x23: {  	v2 =	vld [tilespmem:s13+$0x30];
	_ =	sdelay $0x4  }
0x24: {  	v2 =	vshrl.u32 v2, $0x12  }
0x25: {  	v2 =	vand.u32 $0xFFF, v2;
	_ =	sdelay $0x4  }
0x26: {  	[tilespmem:v2+s8+$0x0] =	vst.idx.add.s32.msk $0xffff, v1  }
0x27: {  	v2 =	vld [tilespmem:s13+$0x40];
	_ =	sdelay $0x4  }
0x28: {  	v2 =	vshrl.u32 v2, $0x12  }
0x29: {  	v2 =	vand.u32 $0xFFF, v2;
	_ =	sdelay $0x4  }
0x2a: {  	[tilespmem:v2+s7+$0x0] =	vst.idx.add.s32.msk $0xffff, v1  }
0x2b: {  	v2 =	vld [tilespmem:s13+$0x50];
	_ =	sdelay $0x4  }
0x2c: {  	v2 =	vshrl.u32 v2, $0x12  }
0x2d: {  	v2 =	vand.u32 $0xFFF, v2;
	_ =	sdelay $0x4  }
0x2e: {  	[tilespmem:v2+s8+$0x0] =	vst.idx.add.s32.msk $0xffff, v1  }
0x2f: {  	v2 =	vld [tilespmem:s13+$0x60];
	_ =	sdelay $0x4  }
0x30: {  	v2 =	vshrl.u32 v2, $0x12  }
0x31: {  	v2 =	vand.u32 $0xFFF, v2;
	_ =	sdelay $0x4  }
0x32: {  	[tilespmem:v2+s7+$0x0] =	vst.idx.add.s32.msk $0xffff, v1  }
0x33: {  	v2 =	vld [tilespmem:s13+$0x70];
	_ =	sdelay $0x4  }
0x34: {  	v2 =	vshrl.u32 v2, $0x12  }
0x35: {  	p0 =	sne.s32 s12, $0x3FE00;
	v2 =	vand.u32 $0xFFF, v2  }
.Ltmp1:
0x36: {  	_ = 	snop;
	(pc) =	sbr.rel @p0 .LBB2_4-.Ltmp1, $2  }
0x37: {  	_ =	sdelay $0x2  }
0x38: {  	s12 =	sadd.s32 $0x200, s12;
	[tilespmem:v2+s8+$0x0] =	vst.idx.add.s32.msk $0xffff, v1  }
0x39: {  	s12 =	simm.s32 $0x0  }
0x3a: {  	s13 =	simm.s32 $0x40;
	v2 =	vld [tilespmem:s12+$0x11000]  }
.LBB2_6:
0x3b: {  	p0 =	sne.s32 s13, $0x3FC0;
	v3 =	vld [tilespmem:s12+$0x10000];
	_ =	sdelay $0x1  }
.Ltmp2:
0x3c: {  	(pc) =	sbr.rel @p0 .LBB2_6-.Ltmp2, $3  }
0x3d: {  	_ =	sdelay $0x1  }
0x3e: {  	s14 =	sshra.s32 s13, $0x2;
	v3 =	vadd.s32 v3, v2  }
0x3f: {  	s13 =	sadd.s32 $0x40, s13;
	v2 =	vld [tilespmem:s14+$0x11000];
	[tilespmem:s12+$0x10000] =	vst v3;
	s12 =	smov.u32 s14  }
0x40: {  	v3 =	vld [tilespmem:s12+$0x10000];
	_ =	sdelay $0x3  }
0x41: {  	s11 =	sadd.s32 $0x1, s11  }
0x42: {  	p0 =	sne.s32 s11, s5;
	v2 =	vadd.s32 v3, v2  }
.Ltmp3:
0x43: {  	[tilespmem:s12+$0x10000] =	vst v2;
	(pc) =	sbr.rel @p0 .LBB2_1-.Ltmp3, $4  }
0x44: {  	[hbm4b:s4+s9] =	stream.strided.scatter [tilespmem:s7], [sflag:$0x1], $0x1000, s10, s9, $0x38;
	[tilespmem:$0x12000] =	vst v63  }
0x45: {  	_ =	swait.ge [sflag:s6], $0x1000  }
0x46: {  	[sflag:s6] =	ssyncset.done $0x0  }
0x47: {  	[sflag:s6] =	ssyncadd.s32 $0xFFFFF000  }
0x48: {  	_ =	sfence.sel $0x180000  }
0x49: {  	[bflag:$0x0] =	sbarrier.arrive $0xFFFF  }
0x4a: {  	p0 =	sne.s32 s1, $0x0;
	_ =	strace $0x9000004D  }
0x4b: {  	s0 =	sadd.s32 @!p0 $0x100000, s0;
	[bflag:$0x2] =	sbarrier.arrive $0xFFFF  }
0x4c: {  	[sflag:s0] =	ssyncadd.tile.s32 @!p0 $0x1;
	_ =	shalt  }
.Lfunc_end2:
_tile_overlayer_lowered:
.L_overlay_start_2:
0x4d: {  	(tag) =	ssettag $0x2  }
0x4e: {  	s0 =	rddreg [dreg:$0x0];
	s2 =	stileid.u32  }
0x4f: {  	s1 =	rddreg [dreg:$0x1];
	p0 =	sne.s32 s2, $0x0  }
0x50: {  	s3 =	rddreg [dreg:$0x2];
	[bflag:$0x3] =	sbarrier.arrive $0xFFFF;
	s2 =	simm.s32 @!p0 $0x1C01  }
0x51: {  	[timem:s3], [sflag:s2] =	dma.local @!p0 [hbm:s0], s1  }
0x52: {  	s0 =	simm.s32 @!p0 $0x1  }
0x53: {  	_ =	swait.ge @!p0 [sflag:s0], s1  }
0x54: {  	s1 =	ssub.s32 @!p0 $0x0, s1;
	[sflag:s0] =	ssyncset.done @!p0 $0x0  }
0x55: {  	[sflag:s0] =	ssyncadd.s32 @!p0 s1  }
0x56: {  	[bflag:$0x3] =	sbarrier.arrive $0xFFFF  }
0x57: {  	_ =	shalt  }

</sc_bundles>
